<compile_context>
chip_gen: v7x
topology: tpu7x:2x2x1
jax: 0.10.2.dev20260603
libtpu: 0.0.44.dev20260713+nightly
codegen_flags: <defaults>
</compile_context>

<pallas_src>
import functools

import jax
import jax.numpy as jnp
from jax import lax
from jax.experimental import pallas as pl
from jax.experimental.pallas import tpu as pltpu
from jax.experimental.pallas import tpu_sc as plsc

_RADIUS = 0.25
_K = 32
_N = 8192
_NB = 8
_L = 16


def _rev(v):
    return jnp.flip(v, axis=0)


def _merge(a0d, a0i, a1d, a1i, bd, bi):
    rbd, rbi = _rev(bd), _rev(bi)
    keep_a = a1d <= rbd
    md = jnp.where(keep_a, a1d, rbd)
    mi = jnp.where(keep_a, a1i, rbi)
    md, mi = plsc.sort_key_val(md, mi)
    rmd, rmi = _rev(md), _rev(mi)
    lo_is_a = a0d <= rmd
    sd = jnp.where(lo_is_a, a0d, rmd)
    si = jnp.where(lo_is_a, a0i, rmi)
    td = jnp.where(lo_is_a, rmd, a0d)
    ti = jnp.where(lo_is_a, rmi, a0i)
    n0d, n0i = plsc.sort_key_val(sd, si)
    n1d, n1i = plsc.sort_key_val(td, ti)
    return n0d, n0i, n1d, n1i


def _vext(ref, idx):
    return ref[pl.ds(idx, _L)][0]


def _sc_body(xx_h, xy_h, xz_h, bat_h, src_h, tgt_h,
             xx, xy, xz, x2, bat, bnd, srcb, tgtb, cand_d, cand_i, fixd, fixi):
    info = plsc.get_sparse_core_info()
    nc = info.num_cores
    wid = lax.axis_index("s") * nc + lax.axis_index("c")
    nw = nc * info.num_subcores
    rows = _N // nw
    r0 = wid * rows

    pltpu.sync_copy(xx_h, xx.at[pl.ds(0, _N)])
    pltpu.sync_copy(xy_h, xy.at[pl.ds(0, _N)])
    pltpu.sync_copy(xz_h, xz.at[pl.ds(0, _N)])
    pltpu.sync_copy(bat_h, bat.at[pl.ds(0, _N)])

    xx[pl.ds(_N, _L)] = jnp.zeros((_L,), jnp.float32)
    xy[pl.ds(_N, _L)] = jnp.zeros((_L,), jnp.float32)
    xz[pl.ds(_N, _L)] = jnp.zeros((_L,), jnp.float32)
    x2[pl.ds(_N, _L)] = jnp.full((_L,), jnp.inf, jnp.float32)
    bat[pl.ds(_N, _L)] = jnp.full((_L,), _NB, jnp.int32)

    def _rne(v):
        u = lax.bitcast_convert_type(v, jnp.int32)
        r = ((u >> 16) & 1) + 0x7FFF
        return lax.bitcast_convert_type((u + r) & jnp.int32(-65536),
                                        jnp.float32)

    def _x2_step(c, _):
        s = pl.ds(c * _L, _L)
        v0, v1, v2 = xx[s], xy[s], xz[s]
        x2[s] = (v0 * v0 + v1 * v1) + v2 * v2
        xx[s] = _rne(v0)
        xy[s] = _rne(v1)
        xz[s] = _rne(v2)
        return 0
    lax.fori_loop(0, _N // _L, _x2_step, 0)

    r2 = jnp.float32(_RADIUS * _RADIUS)
    inf16 = jnp.full((_L,), jnp.inf, jnp.float32)
    neg16 = jnp.full((_L,), -1, jnp.int32)
    iota = lax.broadcasted_iota(jnp.int32, (_L,), 0)

    def _bisect(v, _):
        def _step(_, lh):
            l, h = lh
            mid = (l + h) // 2
            below = _vext(bat, mid) < v
            return (jnp.where(below, mid + 1, l), jnp.where(below, h, mid))
        l, _h = lax.fori_loop(0, 14, _step, (0, _N))
        bnd[v] = l
        return 0
    lax.fori_loop(0, _NB + 1, _bisect, 0)

    def _row(r, _):
        i = r0 + r
        bi = _vext(bat, i)
        lo = bnd[bi]
        hi = bnd[bi + 1]
        xi0 = _vext(xx, i)
        xi1 = _vext(xy, i)
        xi2 = _vext(xz, i)
        x2i = _vext(x2, i)
        c0 = lo // _L
        c1 = (hi + _L - 1) // _L

        def _scan(c, cur):
            base = c * _L
            s = pl.ds(base, _L)
            jidx = base + iota
            p0 = xi0 * xx[s]
            p1 = xi1 * xy[s]
            p2 = xi2 * xz[s]
            sm = p0 + p1
            e = (p0 - (sm - p1)) + (p1 - (sm - (sm - p1)))
            t = sm + p2
            e2 = (sm - (t - p2)) + (p2 - (t - (t - p2)))
            dot = t + (e + e2)
            d2 = jnp.maximum((x2i + x2[s]) - 2.0 * dot, 0.0)
            valid = ((jidx >= lo) & (jidx < hi) & (jidx != i)
                     & (d2 <= r2))
            plsc.store_compressed(cand_d.at[pl.ds(cur, _L)], d2, mask=valid)
            plsc.store_compressed(cand_i.at[pl.ds(cur, _L)], jidx, mask=valid)
            return cur + plsc.all_reduce_population_count(valid)[0]

        cur = lax.fori_loop(c0, c1, _scan, 0)

        def _p2(c, carry):
            a0d, a0i, a1d, a1i = carry
            s = pl.ds(c * _L, _L)
            inb = (c * _L + iota) < cur
            kd = jnp.where(inb, cand_d[s], jnp.inf)
            ki = jnp.where(inb, cand_i[s], -1)
            sd, si = plsc.sort_key_val(kd, ki)

            def _do(args):
                a0d, a0i, a1d, a1i, sd, si = args
                return _merge(a0d, a0i, a1d, a1i, sd, si)

            def _skip(args):
                a0d, a0i, a1d, a1i, _sd, _si = args
                return a0d, a0i, a1d, a1i

            return lax.cond(sd[0] < a1d[_L - 1], _do, _skip,
                            (a0d, a0i, a1d, a1i, sd, si))

        init = (inf16, neg16, inf16, neg16)
        a0d, a0i, a1d, a1i = lax.fori_loop(0, (cur + _L - 1) // _L, _p2, init)

        fixd[pl.ds(0, _L)] = inf16
        fixd[pl.ds(3 * _L, _L)] = inf16
        fixd[pl.ds(_L, _L)] = a0d
        fixd[pl.ds(2 * _L, _L)] = a1d
        pdr0 = fixd[pl.ds(_L + 1, _L)]
        pdl0 = fixd[pl.ds(_L - 1, _L)]
        pdr1 = fixd[pl.ds(2 * _L + 1, _L)]
        pdl1 = fixd[pl.ds(2 * _L - 1, _L)]
        even = (iota & 1) == 0

        def _fixpass(a0i, a1i, low_is_even):
            fixi[pl.ds(0, _L)] = neg16
            fixi[pl.ds(3 * _L, _L)] = neg16
            fixi[pl.ds(_L, _L)] = a0i
            fixi[pl.ds(2 * _L, _L)] = a1i
            low0 = even if low_is_even else ~even
            pd0 = jnp.where(low0, pdr0, pdl0)
            pi0 = jnp.where(low0, fixi[pl.ds(_L + 1, _L)],
                            fixi[pl.ds(_L - 1, _L)])
            c0_ = (a0d == pd0) & jnp.where(low0, a0i > pi0, pi0 > a0i)
            pd1 = jnp.where(low0, pdr1, pdl1)
            pi1 = jnp.where(low0, fixi[pl.ds(2 * _L + 1, _L)],
                            fixi[pl.ds(2 * _L - 1, _L)])
            c1_ = (a1d == pd1) & jnp.where(low0, a1i > pi1, pi1 > a1i)
            return jnp.where(c0_, pi0, a0i), jnp.where(c1_, pi1, a1i)

        a0i, a1i = _fixpass(a0i, a1i, True)
        a0i, a1i = _fixpass(a0i, a1i, False)
        a0i, a1i = _fixpass(a0i, a1i, True)

        o = pl.ds(r * _K, _L)
        o2 = pl.ds(r * _K + _L, _L)
        srcb[o] = a0i
        srcb[o2] = a1i
        tgtb[o] = jnp.where(a0d < jnp.inf, i, -1)
        tgtb[o2] = jnp.where(a1d < jnp.inf, i, -1)
        return 0

    lax.fori_loop(0, rows, _row, 0)

    out_s = pl.ds(r0 * _K, rows * _K)
    pltpu.sync_copy(srcb, src_h.at[out_s])
    pltpu.sync_copy(tgtb, tgt_h.at[out_s])


@jax.jit
def kernel(x, batch):
    n = x.shape[0]
    nk = n * _K
    rows = n // 32
    mesh = plsc.VectorSubcoreMesh(core_axis_name="c", subcore_axis_name="s")
    call = functools.partial(
        pl.kernel,
        mesh=mesh,
        compiler_params=pltpu.CompilerParams(needs_layout_passes=False),
        out_type=[
            jax.ShapeDtypeStruct((nk,), jnp.int32),
            jax.ShapeDtypeStruct((nk,), jnp.int32),
        ],
        scratch_types=[
            pltpu.VMEM((n + _L,), jnp.float32),
            pltpu.VMEM((n + _L,), jnp.float32),
            pltpu.VMEM((n + _L,), jnp.float32),
            pltpu.VMEM((n + _L,), jnp.float32),
            pltpu.VMEM((n + _L,), jnp.int32),
            pltpu.SMEM((16,), jnp.int32),
            pltpu.VMEM((rows * _K,), jnp.int32),
            pltpu.VMEM((rows * _K,), jnp.int32),
            pltpu.VMEM((n + 2 * _L,), jnp.float32),
            pltpu.VMEM((n + 2 * _L,), jnp.int32),
            pltpu.VMEM((4 * _L,), jnp.float32),
            pltpu.VMEM((4 * _L,), jnp.int32),
        ],
    )(_sc_body)
    src, tgt = call(
        x[:, 0].astype(jnp.float32),
        x[:, 1].astype(jnp.float32),
        x[:, 2].astype(jnp.float32),
        batch.astype(jnp.int32),
    )
    return jnp.stack([src, tgt], axis=0)

# --- scband reference (transcript-rebuilt; emitter-appended) ---
"""Pipeline reference for scband-radius-knn-graph-89816356094632 (READ-ONLY COPY).

The authoritative reference and input builder live on the scoring server;
editing this copy changes nothing except your own understanding.
"""

import jax, jax.numpy as jnp
import numpy as np

RADIUS = 0.25
MAX_NEIGHBORS = 32
N_POINTS = 8192
N_BATCH = 8


def setup_inputs(seed: int = 0) -> dict:
    key = jax.random.key(seed)
    k1, k2 = jax.random.split(key)
    x = jax.random.uniform(k1, (N_POINTS, 3), dtype=jnp.float32)
    batch = jnp.sort(jax.random.randint(k2, (N_POINTS,), 0, N_BATCH))
    return {"x": x, "batch": batch}


def reference(x, batch):
    # radius_graph: for each node (target), find up to max_num_neighbors
    # other nodes (sources) in the same batch segment within `radius`.
    # Nearest-first selection; invalid slots marked with -1.
    N = x.shape[0]
    K = MAX_NEIGHBORS
    r2 = RADIUS * RADIUS
    x2 = jnp.sum(x * x, axis=1)
    d2 = x2[:, None] + x2[None, :] - 2.0 * (x @ x.T)
    d2 = jnp.maximum(d2, 0.0)
    same = batch[:, None] == batch[None, :]
    self_mask = jnp.eye(N, dtype=bool)
    valid = same & (~self_mask) & (d2 <= r2)
    masked = jnp.where(valid, d2, jnp.inf)
    neg_vals, nbr_idx = jax.lax.top_k(-masked, K)
    ok = neg_vals > -jnp.inf
    tgt = jnp.broadcast_to(jnp.arange(N)[:, None], (N, K))
    src = jnp.where(ok, nbr_idx, -1)
    tgt = jnp.where(ok, tgt, -1)
    # flow = source_to_target: row 0 = source (neighbor), row 1 = target (center)
    edge_index = jnp.stack([src.reshape(-1), tgt.reshape(-1)], axis=0)
    return edge_index

if __name__ == "__main__":
    import jax
    _d = setup_inputs()
    print(jax.jit(kernel)(*tuple(_d.values())))

</pallas_src>

<mosaic_0001>
#map = affine_map<(d0, d1) -> (0)>
module attributes {stable_mosaic.version = 14 : i64} {
  func.func @_sc_body(%arg0: i32, %arg1: i32, %arg2: memref<8192xf32, #tpu.memory_space<hbm>>, %arg3: memref<8192xf32, #tpu.memory_space<hbm>>, %arg4: memref<8192xf32, #tpu.memory_space<hbm>>, %arg5: memref<8192xi32, #tpu.memory_space<hbm>>, %arg6: memref<262144xi32, #tpu.memory_space<hbm>>, %arg7: memref<262144xi32, #tpu.memory_space<hbm>>, %arg8: memref<8208xf32, #tpu.memory_space<vmem>>, %arg9: memref<8208xf32, #tpu.memory_space<vmem>>, %arg10: memref<8208xf32, #tpu.memory_space<vmem>>, %arg11: memref<8208xf32, #tpu.memory_space<vmem>>, %arg12: memref<8208xi32, #tpu.memory_space<vmem>>, %arg13: memref<16xi32, #tpu.memory_space<smem>>, %arg14: memref<8192xi32, #tpu.memory_space<vmem>>, %arg15: memref<8192xi32, #tpu.memory_space<vmem>>, %arg16: memref<8224xf32, #tpu.memory_space<vmem>>, %arg17: memref<8224xi32, #tpu.memory_space<vmem>>, %arg18: memref<64xf32, #tpu.memory_space<vmem>>, %arg19: memref<64xi32, #tpu.memory_space<vmem>>) attributes {dimension_semantics = [#tpu.dimension_semantics<core_parallel>, #tpu.dimension_semantics<subcore_parallel>], iteration_bounds = array<i64: 2, 16>, scalar_prefetch = 0 : i64, scratch_operands = 12 : i64, tpu.core_type = #tpu.core_type<sc_vector_subcore>, window_params = [{transform_indices = #map}, {transform_indices = #map}, {transform_indices = #map}, {transform_indices = #map}, {transform_indices = #map}, {transform_indices = #map}]} {
    %mul3A = arith.constant 2 : i32
    %mul3A_0 = arith.muli %arg1, %mul3A : i32
    %add3A = arith.addi %mul3A_0, %arg0 : i32
    %mul3A_1 = arith.constant 256 : i32
    %mul3A_2 = arith.muli %add3A, %mul3A_1 : i32
    "tpu.region"() ({
      %run_scoped3A = tpu.sem_alloc : memref<!tpu.dma_semaphore, #tpu.memory_space<semaphore_mem>>
      %dma_start3A = arith.constant 0 : i32
      %dma_start3A_48 = tpu.memref_slice %arg8[%dma_start3A] : memref<8208xf32, #tpu.memory_space<vmem>> -> memref<8192xf32, #tpu.memory_space<vmem>>
      %dma_start3A_49 = arith.constant 0 : i32
      %dma_start3A_50 = tpu.memref_slice %arg8[%dma_start3A_49] : memref<8208xf32, #tpu.memory_space<vmem>> -> memref<8192xf32, #tpu.memory_space<vmem>>
      tpu.enqueue_dma source(%arg2 : memref<8192xf32, #tpu.memory_space<hbm>>) target(%dma_start3A_50 : memref<8192xf32, #tpu.memory_space<vmem>>) target_semaphore(%run_scoped3A : memref<!tpu.dma_semaphore, #tpu.memory_space<semaphore_mem>>)
      %dma_wait3A = arith.constant 0 : i32
      %dma_wait3A_51 = tpu.memref_slice %arg8[%dma_wait3A] : memref<8208xf32, #tpu.memory_space<vmem>> -> memref<8192xf32, #tpu.memory_space<vmem>>
      %dma_wait3A_52 = arith.constant 0 : i32
      %dma_wait3A_53 = tpu.memref_slice %arg8[%dma_wait3A_52] : memref<8208xf32, #tpu.memory_space<vmem>> -> memref<8192xf32, #tpu.memory_space<vmem>>
      tpu.wait_dma2 semaphore(%run_scoped3A : memref<!tpu.dma_semaphore, #tpu.memory_space<semaphore_mem>>) src(%arg2 : memref<8192xf32, #tpu.memory_space<hbm>>) dst(%dma_wait3A_53 : memref<8192xf32, #tpu.memory_space<vmem>>)
      tpu.yield
    }) : () -> ()
    "tpu.region"() ({
      %run_scoped3A = tpu.sem_alloc : memref<!tpu.dma_semaphore, #tpu.memory_space<semaphore_mem>>
      %dma_start3A = arith.constant 0 : i32
      %dma_start3A_48 = tpu.memref_slice %arg9[%dma_start3A] : memref<8208xf32, #tpu.memory_space<vmem>> -> memref<8192xf32, #tpu.memory_space<vmem>>
      %dma_start3A_49 = arith.constant 0 : i32
      %dma_start3A_50 = tpu.memref_slice %arg9[%dma_start3A_49] : memref<8208xf32, #tpu.memory_space<vmem>> -> memref<8192xf32, #tpu.memory_space<vmem>>
      tpu.enqueue_dma source(%arg3 : memref<8192xf32, #tpu.memory_space<hbm>>) target(%dma_start3A_50 : memref<8192xf32, #tpu.memory_space<vmem>>) target_semaphore(%run_scoped3A : memref<!tpu.dma_semaphore, #tpu.memory_space<semaphore_mem>>)
      %dma_wait3A = arith.constant 0 : i32
      %dma_wait3A_51 = tpu.memref_slice %arg9[%dma_wait3A] : memref<8208xf32, #tpu.memory_space<vmem>> -> memref<8192xf32, #tpu.memory_space<vmem>>
      %dma_wait3A_52 = arith.constant 0 : i32
      %dma_wait3A_53 = tpu.memref_slice %arg9[%dma_wait3A_52] : memref<8208xf32, #tpu.memory_space<vmem>> -> memref<8192xf32, #tpu.memory_space<vmem>>
      tpu.wait_dma2 semaphore(%run_scoped3A : memref<!tpu.dma_semaphore, #tpu.memory_space<semaphore_mem>>) src(%arg3 : memref<8192xf32, #tpu.memory_space<hbm>>) dst(%dma_wait3A_53 : memref<8192xf32, #tpu.memory_space<vmem>>)
      tpu.yield
    }) : () -> ()
    "tpu.region"() ({
      %run_scoped3A = tpu.sem_alloc : memref<!tpu.dma_semaphore, #tpu.memory_space<semaphore_mem>>
      %dma_start3A = arith.constant 0 : i32
      %dma_start3A_48 = tpu.memref_slice %arg10[%dma_start3A] : memref<8208xf32, #tpu.memory_space<vmem>> -> memref<8192xf32, #tpu.memory_space<vmem>>
      %dma_start3A_49 = arith.constant 0 : i32
      %dma_start3A_50 = tpu.memref_slice %arg10[%dma_start3A_49] : memref<8208xf32, #tpu.memory_space<vmem>> -> memref<8192xf32, #tpu.memory_space<vmem>>
      tpu.enqueue_dma source(%arg4 : memref<8192xf32, #tpu.memory_space<hbm>>) target(%dma_start3A_50 : memref<8192xf32, #tpu.memory_space<vmem>>) target_semaphore(%run_scoped3A : memref<!tpu.dma_semaphore, #tpu.memory_space<semaphore_mem>>)
      %dma_wait3A = arith.constant 0 : i32
      %dma_wait3A_51 = tpu.memref_slice %arg10[%dma_wait3A] : memref<8208xf32, #tpu.memory_space<vmem>> -> memref<8192xf32, #tpu.memory_space<vmem>>
      %dma_wait3A_52 = arith.constant 0 : i32
      %dma_wait3A_53 = tpu.memref_slice %arg10[%dma_wait3A_52] : memref<8208xf32, #tpu.memory_space<vmem>> -> memref<8192xf32, #tpu.memory_space<vmem>>
      tpu.wait_dma2 semaphore(%run_scoped3A : memref<!tpu.dma_semaphore, #tpu.memory_space<semaphore_mem>>) src(%arg4 : memref<8192xf32, #tpu.memory_space<hbm>>) dst(%dma_wait3A_53 : memref<8192xf32, #tpu.memory_space<vmem>>)
      tpu.yield
    }) : () -> ()
    "tpu.region"() ({
      %run_scoped3A = tpu.sem_alloc : memref<!tpu.dma_semaphore, #tpu.memory_space<semaphore_mem>>
      %dma_start3A = arith.constant 0 : i32
      %dma_start3A_48 = tpu.memref_slice %arg12[%dma_start3A] : memref<8208xi32, #tpu.memory_space<vmem>> -> memref<8192xi32, #tpu.memory_space<vmem>>
      %dma_start3A_49 = arith.constant 0 : i32
      %dma_start3A_50 = tpu.memref_slice %arg12[%dma_start3A_49] : memref<8208xi32, #tpu.memory_space<vmem>> -> memref<8192xi32, #tpu.memory_space<vmem>>
      tpu.enqueue_dma source(%arg5 : memref<8192xi32, #tpu.memory_space<hbm>>) target(%dma_start3A_50 : memref<8192xi32, #tpu.memory_space<vmem>>) target_semaphore(%run_scoped3A : memref<!tpu.dma_semaphore, #tpu.memory_space<semaphore_mem>>)
      %dma_wait3A = arith.constant 0 : i32
      %dma_wait3A_51 = tpu.memref_slice %arg12[%dma_wait3A] : memref<8208xi32, #tpu.memory_space<vmem>> -> memref<8192xi32, #tpu.memory_space<vmem>>
      %dma_wait3A_52 = arith.constant 0 : i32
      %dma_wait3A_53 = tpu.memref_slice %arg12[%dma_wait3A_52] : memref<8208xi32, #tpu.memory_space<vmem>> -> memref<8192xi32, #tpu.memory_space<vmem>>
      tpu.wait_dma2 semaphore(%run_scoped3A : memref<!tpu.dma_semaphore, #tpu.memory_space<semaphore_mem>>) src(%arg5 : memref<8192xi32, #tpu.memory_space<hbm>>) dst(%dma_wait3A_53 : memref<8192xi32, #tpu.memory_space<vmem>>)
      tpu.yield
    }) : () -> ()
    %broadcast_in_dim3A = arith.constant 0.000000e+00 : f32
    %broadcast_in_dim3A_3 = vector.broadcast %broadcast_in_dim3A : f32 to vector<16xf32>
    %swap3A = arith.constant 8192 : index
    %swap3A_4 = tpu.vector_load %arg8[%swap3A] {strides = array<i32>} : memref<8208xf32, #tpu.memory_space<vmem>>, vector<16xf32>,
    tpu.vector_store %arg8[%swap3A], %broadcast_in_dim3A_3 {strides = array<i32>} : memref<8208xf32, #tpu.memory_space<vmem>>, vector<16xf32>,
    %broadcast_in_dim3A_5 = arith.constant 0.000000e+00 : f32
    %broadcast_in_dim3A_6 = vector.broadcast %broadcast_in_dim3A_5 : f32 to vector<16xf32>
    %swap3A_7 = arith.constant 8192 : index
    %swap3A_8 = tpu.vector_load %arg9[%swap3A_7] {strides = array<i32>} : memref<8208xf32, #tpu.memory_space<vmem>>, vector<16xf32>,
    tpu.vector_store %arg9[%swap3A_7], %broadcast_in_dim3A_6 {strides = array<i32>} : memref<8208xf32, #tpu.memory_space<vmem>>, vector<16xf32>,
    %broadcast_in_dim3A_9 = arith.constant 0.000000e+00 : f32
    %broadcast_in_dim3A_10 = vector.broadcast %broadcast_in_dim3A_9 : f32 to vector<16xf32>
    %swap3A_11 = arith.constant 8192 : index
    %swap3A_12 = tpu.vector_load %arg10[%swap3A_11] {strides = array<i32>} : memref<8208xf32, #tpu.memory_space<vmem>>, vector<16xf32>,
    tpu.vector_store %arg10[%swap3A_11], %broadcast_in_dim3A_10 {strides = array<i32>} : memref<8208xf32, #tpu.memory_space<vmem>>, vector<16xf32>,
    %broadcast_in_dim3A_13 = arith.constant 0x7F800000 : f32
    %broadcast_in_dim3A_14 = vector.broadcast %broadcast_in_dim3A_13 : f32 to vector<16xf32>
    %swap3A_15 = arith.constant 8192 : index
    %swap3A_16 = tpu.vector_load %arg11[%swap3A_15] {strides = array<i32>} : memref<8208xf32, #tpu.memory_space<vmem>>, vector<16xf32>,
    tpu.vector_store %arg11[%swap3A_15], %broadcast_in_dim3A_14 {strides = array<i32>} : memref<8208xf32, #tpu.memory_space<vmem>>, vector<16xf32>,
    %broadcast_in_dim3A_17 = arith.constant 8 : i32
    %broadcast_in_dim3A_18 = vector.broadcast %broadcast_in_dim3A_17 : i32 to vector<16xi32>
    %swap3A_19 = arith.constant 8192 : index
    %swap3A_20 = tpu.vector_load %arg12[%swap3A_19] {strides = array<i32>} : memref<8208xi32, #tpu.memory_space<vmem>>, vector<16xi32>,
    tpu.vector_store %arg12[%swap3A_19], %broadcast_in_dim3A_18 {strides = array<i32>} : memref<8208xi32, #tpu.memory_space<vmem>>, vector<16xi32>,
    %scan3A = arith.constant 0 : i32
    %scan3A_21 = arith.constant 0 : i32
    %scan3A_22 = arith.constant 512 : i32
    %scan3A_23 = arith.addi %scan3A_21, %scan3A_22 : i32
    %scan3A_24 = arith.constant 1 : i32
    %scan3A_25 = scf.for %scan3A_48 = %scan3A_21 to %scan3A_23 step %scan3A_24 iter_args(%scan3A_49 = %scan3A) -> (i32)  : i32 {
      %mul3A_50 = arith.constant 16 : i32
      %mul3A_51 = arith.muli %scan3A_48, %mul3A_50 : i32
      %get3A = arith.index_cast %mul3A_51 : i32 to index
      %get3A_52 = tpu.vector_load %arg8[%get3A] {strides = array<i32>} : memref<8208xf32, #tpu.memory_space<vmem>>, vector<16xf32>,
      %get3A_53 = arith.index_cast %mul3A_51 : i32 to index
      %get3A_54 = tpu.vector_load %arg9[%get3A_53] {strides = array<i32>} : memref<8208xf32, #tpu.memory_space<vmem>>, vector<16xf32>,
      %get3A_55 = arith.index_cast %mul3A_51 : i32 to index
      %get3A_56 = tpu.vector_load %arg10[%get3A_55] {strides = array<i32>} : memref<8208xf32, #tpu.memory_space<vmem>>, vector<16xf32>,
      %mul3A_57 = arith.mulf %get3A_52, %get3A_52 : vector<16xf32>
      %mul3A_58 = arith.mulf %get3A_54, %get3A_54 : vector<16xf32>
      %add3A_59 = arith.addf %mul3A_57, %mul3A_58 : vector<16xf32>
      %mul3A_60 = arith.mulf %get3A_56, %get3A_56 : vector<16xf32>
      %add3A_61 = arith.addf %add3A_59, %mul3A_60 : vector<16xf32>
      %swap3A_62 = arith.index_cast %mul3A_51 : i32 to index
      %swap3A_63 = tpu.vector_load %arg11[%swap3A_62] {strides = array<i32>} : memref<8208xf32, #tpu.memory_space<vmem>>, vector<16xf32>,
      tpu.vector_store %arg11[%swap3A_62], %add3A_61 {strides = array<i32>} : memref<8208xf32, #tpu.memory_space<vmem>>, vector<16xf32>,
      %bitcast_convert_type3A = tpu.bitcast %get3A_52 : vector<16xf32> -> vector<16xi32>
      %shift_right_arithmetic3A = arith.constant 16 : i32
      %shift_right_arithmetic3A_64 = vector.broadcast %shift_right_arithmetic3A : i32 to vector<16xi32>
      %shift_right_arithmetic3A_65 = arith.shrsi %bitcast_convert_type3A, %shift_right_arithmetic3A_64 : vector<16xi32>
      %and3A = arith.constant 1 : i32
      %and3A_66 = vector.broadcast %and3A : i32 to vector<16xi32>
      %and3A_67 = arith.andi %shift_right_arithmetic3A_65, %and3A_66 : vector<16xi32>
      %add3A_68 = arith.constant 32767 : i32
      %add3A_69 = vector.broadcast %add3A_68 : i32 to vector<16xi32>
      %add3A_70 = arith.addi %and3A_67, %add3A_69 : vector<16xi32>
      %add3A_71 = arith.addi %bitcast_convert_type3A, %add3A_70 : vector<16xi32>
      %and3A_72 = arith.constant -65536 : i32
      %and3A_73 = vector.broadcast %and3A_72 : i32 to vector<16xi32>
      %and3A_74 = arith.andi %add3A_71, %and3A_73 : vector<16xi32>
      %bitcast_convert_type3A_75 = tpu.bitcast %and3A_74 : vector<16xi32> -> vector<16xf32>
      %swap3A_76 = arith.index_cast %mul3A_51 : i32 to index
      %swap3A_77 = tpu.vector_load %arg8[%swap3A_76] {strides = array<i32>} : memref<8208xf32, #tpu.memory_space<vmem>>, vector<16xf32>,
      tpu.vector_store %arg8[%swap3A_76], %bitcast_convert_type3A_75 {strides = array<i32>} : memref<8208xf32, #tpu.memory_space<vmem>>, vector<16xf32>,
      %bitcast_convert_type3A_78 = tpu.bitcast %get3A_54 : vector<16xf32> -> vector<16xi32>
      %shift_right_arithmetic3A_79 = arith.constant 16 : i32
      %shift_right_arithmetic3A_80 = vector.broadcast %shift_right_arithmetic3A_79 : i32 to vector<16xi32>
      %shift_right_arithmetic3A_81 = arith.shrsi %bitcast_convert_type3A_78, %shift_right_arithmetic3A_80 : vector<16xi32>
      %and3A_82 = arith.constant 1 : i32
      %and3A_83 = vector.broadcast %and3A_82 : i32 to vector<16xi32>
      %and3A_84 = arith.andi %shift_right_arithmetic3A_81, %and3A_83 : vector<16xi32>
      %add3A_85 = arith.constant 32767 : i32
      %add3A_86 = vector.broadcast %add3A_85 : i32 to vector<16xi32>
      %add3A_87 = arith.addi %and3A_84, %add3A_86 : vector<16xi32>
      %add3A_88 = arith.addi %bitcast_convert_type3A_78, %add3A_87 : vector<16xi32>
      %and3A_89 = arith.constant -65536 : i32
      %and3A_90 = vector.broadcast %and3A_89 : i32 to vector<16xi32>
      %and3A_91 = arith.andi %add3A_88, %and3A_90 : vector<16xi32>
      %bitcast_convert_type3A_92 = tpu.bitcast %and3A_91 : vector<16xi32> -> vector<16xf32>
      %swap3A_93 = arith.index_cast %mul3A_51 : i32 to index
      %swap3A_94 = tpu.vector_load %arg9[%swap3A_93] {strides = array<i32>} : memref<8208xf32, #tpu.memory_space<vmem>>, vector<16xf32>,
      tpu.vector_store %arg9[%swap3A_93], %bitcast_convert_type3A_92 {strides = array<i32>} : memref<8208xf32, #tpu.memory_space<vmem>>, vector<16xf32>,
      %bitcast_convert_type3A_95 = tpu.bitcast %get3A_56 : vector<16xf32> -> vector<16xi32>
      %shift_right_arithmetic3A_96 = arith.constant 16 : i32
      %shift_right_arithmetic3A_97 = vector.broadcast %shift_right_arithmetic3A_96 : i32 to vector<16xi32>
      %shift_right_arithmetic3A_98 = arith.shrsi %bitcast_convert_type3A_95, %shift_right_arithmetic3A_97 : vector<16xi32>
      %and3A_99 = arith.constant 1 : i32
      %and3A_100 = vector.broadcast %and3A_99 : i32 to vector<16xi32>
      %and3A_101 = arith.andi %shift_right_arithmetic3A_98, %and3A_100 : vector<16xi32>
      %add3A_102 = arith.constant 32767 : i32
      %add3A_103 = vector.broadcast %add3A_102 : i32 to vector<16xi32>
      %add3A_104 = arith.addi %and3A_101, %add3A_103 : vector<16xi32>
      %add3A_105 = arith.addi %bitcast_convert_type3A_95, %add3A_104 : vector<16xi32>
      %and3A_106 = arith.constant -65536 : i32
      %and3A_107 = vector.broadcast %and3A_106 : i32 to vector<16xi32>
      %and3A_108 = arith.andi %add3A_105, %and3A_107 : vector<16xi32>
      %bitcast_convert_type3A_109 = tpu.bitcast %and3A_108 : vector<16xi32> -> vector<16xf32>
      %swap3A_110 = arith.index_cast %mul3A_51 : i32 to index
      %swap3A_111 = tpu.vector_load %arg10[%swap3A_110] {strides = array<i32>} : memref<8208xf32, #tpu.memory_space<vmem>>, vector<16xf32>,
      tpu.vector_store %arg10[%swap3A_110], %bitcast_convert_type3A_109 {strides = array<i32>} : memref<8208xf32, #tpu.memory_space<vmem>>, vector<16xf32>,
      %scan3A_112 = arith.constant 0 : i32
      scf.yield %scan3A_112 : i32
    }
    %scan3A_26 = arith.constant 512 : i32
    %broadcast_in_dim3A_27 = arith.constant 0x7F800000 : f32
    %broadcast_in_dim3A_28 = vector.broadcast %broadcast_in_dim3A_27 : f32 to vector<16xf32>
    %broadcast_in_dim3A_29 = arith.constant -1 : i32
    %broadcast_in_dim3A_30 = vector.broadcast %broadcast_in_dim3A_29 : i32 to vector<16xi32>
    %iota3A = tpu.iota {dimensions = array<i32: 0>} : vector<16xi32>
    %scan3A_31 = arith.constant 0 : i32
    %scan3A_32 = arith.constant 0 : i32
    %scan3A_33 = arith.constant 9 : i32
    %scan3A_34 = arith.addi %scan3A_32, %scan3A_33 : i32
    %scan3A_35 = arith.constant 1 : i32
    %scan3A_36 = scf.for %scan3A_48 = %scan3A_32 to %scan3A_34 step %scan3A_35 iter_args(%scan3A_49 = %scan3A_31) -> (i32)  : i32 {
      %scan3A_50 = arith.constant 0 : i32
      %scan3A_51 = arith.constant 8192 : i32
      %scan3A_52 = arith.constant 0 : i32
      %scan3A_53 = arith.constant 14 : i32
      %scan3A_54 = arith.addi %scan3A_52, %scan3A_53 : i32
      %scan3A_55 = arith.constant 1 : i32
      %scan3A_56:2 = scf.for %scan3A_61 = %scan3A_52 to %scan3A_54 step %scan3A_55 iter_args(%scan3A_62 = %scan3A_50, %scan3A_63 = %scan3A_51) -> (i32, i32)  : i32 {
        %add3A_64 = arith.addi %scan3A_62, %scan3A_63 : i32
        %jit3A = arith.constant 2 : i32
        %div3A = arith.divsi %add3A_64, %jit3A : i32
        %sign3A = arith.constant 0 : i32
        %sign3A_65 = arith.cmpi sgt, %add3A_64, %sign3A : i32
        %sign3A_66 = arith.extui %sign3A_65 : i1 to i32
        %sign3A_67 = arith.constant 0 : i32
        %sign3A_68 = arith.cmpi slt, %add3A_64, %sign3A_67 : i32
        %sign3A_69 = arith.extui %sign3A_68 : i1 to i32
        %sign3A_70 = arith.subi %sign3A_66, %sign3A_69 : i32
        %sign3A_71 = arith.constant 0 : i32
        %sign3A_72 = arith.cmpi sgt, %jit3A, %sign3A_71 : i32
        %sign3A_73 = arith.extui %sign3A_72 : i1 to i32
        %sign3A_74 = arith.constant 0 : i32
        %sign3A_75 = arith.cmpi slt, %jit3A, %sign3A_74 : i32
        %sign3A_76 = arith.extui %sign3A_75 : i1 to i32
        %sign3A_77 = arith.subi %sign3A_73, %sign3A_76 : i32
        %ne3A = arith.cmpi ne, %sign3A_70, %sign3A_77 : i32
        %rem3A = arith.remsi %add3A_64, %jit3A : i32
        %ne3A_78 = arith.constant 0 : i32
        %ne3A_79 = arith.cmpi ne, %rem3A, %ne3A_78 : i32
        %and3A = arith.andi %ne3A, %ne3A_79 : i1
        %sub3A = arith.constant 1 : i32
        %sub3A_80 = arith.subi %div3A, %sub3A : i32
        %select_n3A = arith.select %and3A, %sub3A_80, %div3A : i32
        %get3A = arith.index_cast %select_n3A : i32 to index
        %get3A_81 = tpu.vector_load %arg12[%get3A] {strides = array<i32>} : memref<8208xi32, #tpu.memory_space<vmem>>, vector<16xi32>,
        %slice3A = vector.extract_strided_slice %get3A_81 {offsets = [0], sizes = [1], strides = [1]} : vector<16xi32> to vector<1xi32>
        %squeeze3A = vector.extract %slice3A[0] : i32 from vector<1xi32>
        %lt3A = arith.cmpi slt, %squeeze3A, %scan3A_48 : i32
        %add3A_82 = arith.constant 1 : i32
        %add3A_83 = arith.addi %select_n3A, %add3A_82 : i32
        %select_n3A_84 = arith.select %lt3A, %add3A_83, %scan3A_62 : i32
        %select_n3A_85 = arith.select %lt3A, %scan3A_63, %select_n3A : i32
        scf.yield %select_n3A_84, %select_n3A_85 : i32, i32
      }
      %scan3A_57 = arith.constant 14 : i32
      %swap3A_58 = arith.index_cast %scan3A_48 : i32 to index
      %swap3A_59 = memref.load %arg13[%swap3A_58] : memref<16xi32, #tpu.memory_space<smem>>
      memref.store %scan3A_56#0, %arg13[%swap3A_58] : memref<16xi32, #tpu.memory_space<smem>>
      %scan3A_60 = arith.constant 0 : i32
      scf.yield %scan3A_60 : i32
    }
    %scan3A_37 = arith.constant 9 : i32
    %scan3A_38 = arith.constant 6.250000e-02 : f32
    %scan3A_39 = arith.constant 0 : i32
    %scan3A_40 = arith.constant 0 : i32
    %scan3A_41 = arith.constant 256 : i32
    %scan3A_42 = arith.addi %scan3A_40, %scan3A_41 : i32
    %scan3A_43 = arith.constant 1 : i32
    %scan3A_44 = scf.for %scan3A_48 = %scan3A_40 to %scan3A_42 step %scan3A_43 iter_args(%scan3A_49 = %scan3A_39) -> (i32)  : i32 {
      %add3A_50 = arith.addi %mul3A_2, %scan3A_48 : i32
      %get3A = arith.index_cast %add3A_50 : i32 to index
      %get3A_51 = tpu.vector_load %arg12[%get3A] {strides = array<i32>} : memref<8208xi32, #tpu.memory_space<vmem>>, vector<16xi32>,
      %slice3A = vector.extract_strided_slice %get3A_51 {offsets = [0], sizes = [1], strides = [1]} : vector<16xi32> to vector<1xi32>
      %squeeze3A = vector.extract %slice3A[0] : i32 from vector<1xi32>
      %get3A_52 = arith.index_cast %squeeze3A : i32 to index
      %get3A_53 = memref.load %arg13[%get3A_52] : memref<16xi32, #tpu.memory_space<smem>>
      %add3A_54 = arith.constant 1 : i32
      %add3A_55 = arith.addi %squeeze3A, %add3A_54 : i32
      %get3A_56 = arith.index_cast %add3A_55 : i32 to index
      %get3A_57 = memref.load %arg13[%get3A_56] : memref<16xi32, #tpu.memory_space<smem>>
      %get3A_58 = arith.index_cast %add3A_50 : i32 to index
      %get3A_59 = tpu.vector_load %arg8[%get3A_58] {strides = array<i32>} : memref<8208xf32, #tpu.memory_space<vmem>>, vector<16xf32>,
      %slice3A_60 = vector.extract_strided_slice %get3A_59 {offsets = [0], sizes = [1], strides = [1]} : vector<16xf32> to vector<1xf32>
      %squeeze3A_61 = vector.extract %slice3A_60[0] : f32 from vector<1xf32>
      %get3A_62 = arith.index_cast %add3A_50 : i32 to index
      %get3A_63 = tpu.vector_load %arg9[%get3A_62] {strides = array<i32>} : memref<8208xf32, #tpu.memory_space<vmem>>, vector<16xf32>,
      %slice3A_64 = vector.extract_strided_slice %get3A_63 {offsets = [0], sizes = [1], strides = [1]} : vector<16xf32> to vector<1xf32>
      %squeeze3A_65 = vector.extract %slice3A_64[0] : f32 from vector<1xf32>
      %get3A_66 = arith.index_cast %add3A_50 : i32 to index
      %get3A_67 = tpu.vector_load %arg10[%get3A_66] {strides = array<i32>} : memref<8208xf32, #tpu.memory_space<vmem>>, vector<16xf32>,
      %slice3A_68 = vector.extract_strided_slice %get3A_67 {offsets = [0], sizes = [1], strides = [1]} : vector<16xf32> to vector<1xf32>
      %squeeze3A_69 = vector.extract %slice3A_68[0] : f32 from vector<1xf32>
      %get3A_70 = arith.index_cast %add3A_50 : i32 to index
      %get3A_71 = tpu.vector_load %arg11[%get3A_70] {strides = array<i32>} : memref<8208xf32, #tpu.memory_space<vmem>>, vector<16xf32>,
      %slice3A_72 = vector.extract_strided_slice %get3A_71 {offsets = [0], sizes = [1], strides = [1]} : vector<16xf32> to vector<1xf32>
      %squeeze3A_73 = vector.extract %slice3A_72[0] : f32 from vector<1xf32>
      %jit3A = arith.constant 16 : i32
      %div3A = arith.divsi %get3A_53, %jit3A : i32
      %sign3A = arith.constant 0 : i32
      %sign3A_74 = arith.cmpi sgt, %get3A_53, %sign3A : i32
      %sign3A_75 = arith.extui %sign3A_74 : i1 to i32
      %sign3A_76 = arith.constant 0 : i32
      %sign3A_77 = arith.cmpi slt, %get3A_53, %sign3A_76 : i32
      %sign3A_78 = arith.extui %sign3A_77 : i1 to i32
      %sign3A_79 = arith.subi %sign3A_75, %sign3A_78 : i32
      %sign3A_80 = arith.constant 0 : i32
      %sign3A_81 = arith.cmpi sgt, %jit3A, %sign3A_80 : i32
      %sign3A_82 = arith.extui %sign3A_81 : i1 to i32
      %sign3A_83 = arith.constant 0 : i32
      %sign3A_84 = arith.cmpi slt, %jit3A, %sign3A_83 : i32
      %sign3A_85 = arith.extui %sign3A_84 : i1 to i32
      %sign3A_86 = arith.subi %sign3A_82, %sign3A_85 : i32
      %ne3A = arith.cmpi ne, %sign3A_79, %sign3A_86 : i32
      %rem3A = arith.remsi %get3A_53, %jit3A : i32
      %ne3A_87 = arith.constant 0 : i32
      %ne3A_88 = arith.cmpi ne, %rem3A, %ne3A_87 : i32
      %and3A = arith.andi %ne3A, %ne3A_88 : i1
      %sub3A = arith.constant 1 : i32
      %sub3A_89 = arith.subi %div3A, %sub3A : i32
      %select_n3A = arith.select %and3A, %sub3A_89, %div3A : i32
      %add3A_90 = arith.constant 16 : i32
      %add3A_91 = arith.addi %get3A_57, %add3A_90 : i32
      %sub3A_92 = arith.constant 1 : i32
      %sub3A_93 = arith.subi %add3A_91, %sub3A_92 : i32
      %jit3A_94 = arith.constant 16 : i32
      %div3A_95 = arith.divsi %sub3A_93, %jit3A_94 : i32
      %sign3A_96 = arith.constant 0 : i32
      %sign3A_97 = arith.cmpi sgt, %sub3A_93, %sign3A_96 : i32
      %sign3A_98 = arith.extui %sign3A_97 : i1 to i32
      %sign3A_99 = arith.constant 0 : i32
      %sign3A_100 = arith.cmpi slt, %sub3A_93, %sign3A_99 : i32
      %sign3A_101 = arith.extui %sign3A_100 : i1 to i32
      %sign3A_102 = arith.subi %sign3A_98, %sign3A_101 : i32
      %sign3A_103 = arith.constant 0 : i32
      %sign3A_104 = arith.cmpi sgt, %jit3A_94, %sign3A_103 : i32
      %sign3A_105 = arith.extui %sign3A_104 : i1 to i32
      %sign3A_106 = arith.constant 0 : i32
      %sign3A_107 = arith.cmpi slt, %jit3A_94, %sign3A_106 : i32
      %sign3A_108 = arith.extui %sign3A_107 : i1 to i32
      %sign3A_109 = arith.subi %sign3A_105, %sign3A_108 : i32
      %ne3A_110 = arith.cmpi ne, %sign3A_102, %sign3A_109 : i32
      %rem3A_111 = arith.remsi %sub3A_93, %jit3A_94 : i32
      %ne3A_112 = arith.constant 0 : i32
      %ne3A_113 = arith.cmpi ne, %rem3A_111, %ne3A_112 : i32
      %and3A_114 = arith.andi %ne3A_110, %ne3A_113 : i1
      %sub3A_115 = arith.constant 1 : i32
      %sub3A_116 = arith.subi %div3A_95, %sub3A_115 : i32
      %select_n3A_117 = arith.select %and3A_114, %sub3A_116, %div3A_95 : i32
      %while3A = arith.constant 0 : i32
      %while3A_118 = arith.subi %select_n3A_117, %select_n3A : i32
      %while3A_119 = arith.addi %select_n3A, %while3A_118 : i32
      %while3A_120 = arith.constant 1 : i32
      %while3A_121 = arith.divsi %while3A_118, %while3A_120 : i32
      %while3A_122 = arith.muli %while3A_121, %while3A_120 : i32
      %while3A_123 = arith.addi %select_n3A, %while3A_122 : i32
      %while3A_124 = arith.constant 1 : i32
      %while3A_125 = scf.for %while3A_312 = %select_n3A to %while3A_123 step %while3A_124 iter_args(%while3A_313 = %while3A) -> (i32)  : i32 {
        %mul3A_314 = arith.constant 16 : i32
        %mul3A_315 = arith.muli %while3A_312, %mul3A_314 : i32
        %add3A_316 = vector.broadcast %mul3A_315 : i32 to vector<16xi32>
        %add3A_317 = arith.addi %add3A_316, %iota3A : vector<16xi32>
        %get3A_318 = arith.index_cast %mul3A_315 : i32 to index
        %get3A_319 = tpu.vector_load %arg8[%get3A_318] {strides = array<i32>} : memref<8208xf32, #tpu.memory_space<vmem>>, vector<16xf32>,
        %mul3A_320 = vector.broadcast %squeeze3A_61 : f32 to vector<16xf32>
        %mul3A_321 = arith.mulf %mul3A_320, %get3A_319 : vector<16xf32>
        %get3A_322 = arith.index_cast %mul3A_315 : i32 to index
        %get3A_323 = tpu.vector_load %arg9[%get3A_322] {strides = array<i32>} : memref<8208xf32, #tpu.memory_space<vmem>>, vector<16xf32>,
        %mul3A_324 = vector.broadcast %squeeze3A_65 : f32 to vector<16xf32>
        %mul3A_325 = arith.mulf %mul3A_324, %get3A_323 : vector<16xf32>
        %get3A_326 = arith.index_cast %mul3A_315 : i32 to index
        %get3A_327 = tpu.vector_load %arg10[%get3A_326] {strides = array<i32>} : memref<8208xf32, #tpu.memory_space<vmem>>, vector<16xf32>,
        %mul3A_328 = vector.broadcast %squeeze3A_69 : f32 to vector<16xf32>
        %mul3A_329 = arith.mulf %mul3A_328, %get3A_327 : vector<16xf32>
        %add3A_330 = arith.addf %mul3A_321, %mul3A_325 : vector<16xf32>
        %sub3A_331 = arith.subf %add3A_330, %mul3A_325 : vector<16xf32>
        %sub3A_332 = arith.subf %mul3A_321, %sub3A_331 : vector<16xf32>
        %sub3A_333 = arith.subf %add3A_330, %mul3A_325 : vector<16xf32>
        %sub3A_334 = arith.subf %add3A_330, %sub3A_333 : vector<16xf32>
        %sub3A_335 = arith.subf %mul3A_325, %sub3A_334 : vector<16xf32>
        %add3A_336 = arith.addf %sub3A_332, %sub3A_335 : vector<16xf32>
        %add3A_337 = arith.addf %add3A_330, %mul3A_329 : vector<16xf32>
        %sub3A_338 = arith.subf %add3A_337, %mul3A_329 : vector<16xf32>
        %sub3A_339 = arith.subf %add3A_330, %sub3A_338 : vector<16xf32>
        %sub3A_340 = arith.subf %add3A_337, %mul3A_329 : vector<16xf32>
        %sub3A_341 = arith.subf %add3A_337, %sub3A_340 : vector<16xf32>
        %sub3A_342 = arith.subf %mul3A_329, %sub3A_341 : vector<16xf32>
        %add3A_343 = arith.addf %sub3A_339, %sub3A_342 : vector<16xf32>
        %add3A_344 = arith.addf %add3A_336, %add3A_343 : vector<16xf32>
        %add3A_345 = arith.addf %add3A_337, %add3A_344 : vector<16xf32>
        %get3A_346 = arith.index_cast %mul3A_315 : i32 to index
        %get3A_347 = tpu.vector_load %arg11[%get3A_346] {strides = array<i32>} : memref<8208xf32, #tpu.memory_space<vmem>>, vector<16xf32>,
        %add3A_348 = vector.broadcast %squeeze3A_73 : f32 to vector<16xf32>
        %add3A_349 = arith.addf %add3A_348, %get3A_347 : vector<16xf32>
        %mul3A_350 = arith.constant 2.000000e+00 : f32
        %mul3A_351 = vector.broadcast %mul3A_350 : f32 to vector<16xf32>
        %mul3A_352 = arith.mulf %mul3A_351, %add3A_345 : vector<16xf32>
        %sub3A_353 = arith.subf %add3A_349, %mul3A_352 : vector<16xf32>
        %max3A = arith.constant 0.000000e+00 : f32
        %max3A_354 = vector.broadcast %max3A : f32 to vector<16xf32>
        %max3A_355 = arith.maximumf %sub3A_353, %max3A_354 : vector<16xf32>
        %ge3A = vector.broadcast %get3A_53 : i32 to vector<16xi32>
        %ge3A_356 = arith.cmpi sge, %add3A_317, %ge3A : vector<16xi32>
        %lt3A_357 = vector.broadcast %get3A_57 : i32 to vector<16xi32>
        %lt3A_358 = arith.cmpi slt, %add3A_317, %lt3A_357 : vector<16xi32>
        %and3A_359 = arith.andi %ge3A_356, %lt3A_358 : vector<16xi1>
        %ne3A_360 = vector.broadcast %add3A_50 : i32 to vector<16xi32>
        %ne3A_361 = arith.cmpi ne, %add3A_317, %ne3A_360 : vector<16xi32>
        %and3A_362 = arith.andi %and3A_359, %ne3A_361 : vector<16xi1>
        %le3A = vector.broadcast %scan3A_38 : f32 to vector<16xf32>
        %le3A_363 = arith.cmpf ole, %max3A_355, %le3A : vector<16xf32>
        %and3A_364 = arith.andi %and3A_362, %le3A_363 : vector<16xi1>
        %swap3A_365 = arith.index_cast %while3A_313 : i32 to index
        %swap3A_366 = tpu.vector_load %arg16[%swap3A_365] masked %and3A_364 {strides = array<i32>} : memref<8224xf32, #tpu.memory_space<vmem>>, vector<16xf32>, vector<16xi1>
        tpu.vector_store %arg16[%swap3A_365], %max3A_355 masked %and3A_364 {strides = array<i32>} : memref<8224xf32, #tpu.memory_space<vmem>>, vector<16xf32>, vector<16xi1>
        %swap3A_367 = arith.index_cast %while3A_313 : i32 to index
        %swap3A_368 = tpu.vector_load %arg17[%swap3A_367] masked %and3A_364 {strides = array<i32>} : memref<8224xi32, #tpu.memory_space<vmem>>, vector<16xi32>, vector<16xi1>
        tpu.vector_store %arg17[%swap3A_367], %add3A_317 masked %and3A_364 {strides = array<i32>} : memref<8224xi32, #tpu.memory_space<vmem>>, vector<16xi32>, vector<16xi1>
        %all_reduce_population_count3A = tpu.all_reduce %and3A_364 {dim = 0 : i64, kind = #tpu.reduction_kind<sum>} : vector<16xi1> -> vector<16xi32>
        %slice3A_369 = vector.extract_strided_slice %all_reduce_population_count3A {offsets = [0], sizes = [1], strides = [1]} : vector<16xi32> to vector<1xi32>
        %squeeze3A_370 = vector.extract %slice3A_369[0] : i32 from vector<1xi32>
        %add3A_371 = arith.addi %while3A_313, %squeeze3A_370 : i32
        scf.yield %add3A_371 : i32
      }
      %while3A_126 = arith.constant 1 : i32
      %while3A_127 = scf.for %while3A_312 = %while3A_123 to %while3A_119 step %while3A_126 iter_args(%while3A_313 = %while3A_125) -> (i32)  : i32 {
        %mul3A_314 = arith.constant 16 : i32
        %mul3A_315 = arith.muli %while3A_312, %mul3A_314 : i32
        %add3A_316 = vector.broadcast %mul3A_315 : i32 to vector<16xi32>
        %add3A_317 = arith.addi %add3A_316, %iota3A : vector<16xi32>
        %get3A_318 = arith.index_cast %mul3A_315 : i32 to index
        %get3A_319 = tpu.vector_load %arg8[%get3A_318] {strides = array<i32>} : memref<8208xf32, #tpu.memory_space<vmem>>, vector<16xf32>,
        %mul3A_320 = vector.broadcast %squeeze3A_61 : f32 to vector<16xf32>
        %mul3A_321 = arith.mulf %mul3A_320, %get3A_319 : vector<16xf32>
        %get3A_322 = arith.index_cast %mul3A_315 : i32 to index
        %get3A_323 = tpu.vector_load %arg9[%get3A_322] {strides = array<i32>} : memref<8208xf32, #tpu.memory_space<vmem>>, vector<16xf32>,
        %mul3A_324 = vector.broadcast %squeeze3A_65 : f32 to vector<16xf32>
        %mul3A_325 = arith.mulf %mul3A_324, %get3A_323 : vector<16xf32>
        %get3A_326 = arith.index_cast %mul3A_315 : i32 to index
        %get3A_327 = tpu.vector_load %arg10[%get3A_326] {strides = array<i32>} : memref<8208xf32, #tpu.memory_space<vmem>>, vector<16xf32>,
        %mul3A_328 = vector.broadcast %squeeze3A_69 : f32 to vector<16xf32>
        %mul3A_329 = arith.mulf %mul3A_328, %get3A_327 : vector<16xf32>
        %add3A_330 = arith.addf %mul3A_321, %mul3A_325 : vector<16xf32>
        %sub3A_331 = arith.subf %add3A_330, %mul3A_325 : vector<16xf32>
        %sub3A_332 = arith.subf %mul3A_321, %sub3A_331 : vector<16xf32>
        %sub3A_333 = arith.subf %add3A_330, %mul3A_325 : vector<16xf32>
        %sub3A_334 = arith.subf %add3A_330, %sub3A_333 : vector<16xf32>
        %sub3A_335 = arith.subf %mul3A_325, %sub3A_334 : vector<16xf32>
        %add3A_336 = arith.addf %sub3A_332, %sub3A_335 : vector<16xf32>
        %add3A_337 = arith.addf %add3A_330, %mul3A_329 : vector<16xf32>
        %sub3A_338 = arith.subf %add3A_337, %mul3A_329 : vector<16xf32>
        %sub3A_339 = arith.subf %add3A_330, %sub3A_338 : vector<16xf32>
        %sub3A_340 = arith.subf %add3A_337, %mul3A_329 : vector<16xf32>
        %sub3A_341 = arith.subf %add3A_337, %sub3A_340 : vector<16xf32>
        %sub3A_342 = arith.subf %mul3A_329, %sub3A_341 : vector<16xf32>
        %add3A_343 = arith.addf %sub3A_339, %sub3A_342 : vector<16xf32>
        %add3A_344 = arith.addf %add3A_336, %add3A_343 : vector<16xf32>
        %add3A_345 = arith.addf %add3A_337, %add3A_344 : vector<16xf32>
        %get3A_346 = arith.index_cast %mul3A_315 : i32 to index
        %get3A_347 = tpu.vector_load %arg11[%get3A_346] {strides = array<i32>} : memref<8208xf32, #tpu.memory_space<vmem>>, vector<16xf32>,
        %add3A_348 = vector.broadcast %squeeze3A_73 : f32 to vector<16xf32>
        %add3A_349 = arith.addf %add3A_348, %get3A_347 : vector<16xf32>
        %mul3A_350 = arith.constant 2.000000e+00 : f32
        %mul3A_351 = vector.broadcast %mul3A_350 : f32 to vector<16xf32>
        %mul3A_352 = arith.mulf %mul3A_351, %add3A_345 : vector<16xf32>
        %sub3A_353 = arith.subf %add3A_349, %mul3A_352 : vector<16xf32>
        %max3A = arith.constant 0.000000e+00 : f32
        %max3A_354 = vector.broadcast %max3A : f32 to vector<16xf32>
        %max3A_355 = arith.maximumf %sub3A_353, %max3A_354 : vector<16xf32>
        %ge3A = vector.broadcast %get3A_53 : i32 to vector<16xi32>
        %ge3A_356 = arith.cmpi sge, %add3A_317, %ge3A : vector<16xi32>
        %lt3A_357 = vector.broadcast %get3A_57 : i32 to vector<16xi32>
        %lt3A_358 = arith.cmpi slt, %add3A_317, %lt3A_357 : vector<16xi32>
        %and3A_359 = arith.andi %ge3A_356, %lt3A_358 : vector<16xi1>
        %ne3A_360 = vector.broadcast %add3A_50 : i32 to vector<16xi32>
        %ne3A_361 = arith.cmpi ne, %add3A_317, %ne3A_360 : vector<16xi32>
        %and3A_362 = arith.andi %and3A_359, %ne3A_361 : vector<16xi1>
        %le3A = vector.broadcast %scan3A_38 : f32 to vector<16xf32>
        %le3A_363 = arith.cmpf ole, %max3A_355, %le3A : vector<16xf32>
        %and3A_364 = arith.andi %and3A_362, %le3A_363 : vector<16xi1>
        %swap3A_365 = arith.index_cast %while3A_313 : i32 to index
        %swap3A_366 = tpu.vector_load %arg16[%swap3A_365] masked %and3A_364 {strides = array<i32>} : memref<8224xf32, #tpu.memory_space<vmem>>, vector<16xf32>, vector<16xi1>
        tpu.vector_store %arg16[%swap3A_365], %max3A_355 masked %and3A_364 {strides = array<i32>} : memref<8224xf32, #tpu.memory_space<vmem>>, vector<16xf32>, vector<16xi1>
        %swap3A_367 = arith.index_cast %while3A_313 : i32 to index
        %swap3A_368 = tpu.vector_load %arg17[%swap3A_367] masked %and3A_364 {strides = array<i32>} : memref<8224xi32, #tpu.memory_space<vmem>>, vector<16xi32>, vector<16xi1>
        tpu.vector_store %arg17[%swap3A_367], %add3A_317 masked %and3A_364 {strides = array<i32>} : memref<8224xi32, #tpu.memory_space<vmem>>, vector<16xi32>, vector<16xi1>
        %all_reduce_population_count3A = tpu.all_reduce %and3A_364 {dim = 0 : i64, kind = #tpu.reduction_kind<sum>} : vector<16xi1> -> vector<16xi32>
        %slice3A_369 = vector.extract_strided_slice %all_reduce_population_count3A {offsets = [0], sizes = [1], strides = [1]} : vector<16xi32> to vector<1xi32>
        %squeeze3A_370 = vector.extract %slice3A_369[0] : i32 from vector<1xi32>
        %add3A_371 = arith.addi %while3A_313, %squeeze3A_370 : i32
        scf.yield %add3A_371 : i32
      }
      %add3A_128 = arith.constant 16 : i32
      %add3A_129 = arith.addi %while3A_127, %add3A_128 : i32
      %sub3A_130 = arith.constant 1 : i32
      %sub3A_131 = arith.subi %add3A_129, %sub3A_130 : i32
      %jit3A_132 = arith.constant 16 : i32
      %div3A_133 = arith.divsi %sub3A_131, %jit3A_132 : i32
      %sign3A_134 = arith.constant 0 : i32
      %sign3A_135 = arith.cmpi sgt, %sub3A_131, %sign3A_134 : i32
      %sign3A_136 = arith.extui %sign3A_135 : i1 to i32
      %sign3A_137 = arith.constant 0 : i32
      %sign3A_138 = arith.cmpi slt, %sub3A_131, %sign3A_137 : i32
      %sign3A_139 = arith.extui %sign3A_138 : i1 to i32
      %sign3A_140 = arith.subi %sign3A_136, %sign3A_139 : i32
      %sign3A_141 = arith.constant 0 : i32
      %sign3A_142 = arith.cmpi sgt, %jit3A_132, %sign3A_141 : i32
      %sign3A_143 = arith.extui %sign3A_142 : i1 to i32
      %sign3A_144 = arith.constant 0 : i32
      %sign3A_145 = arith.cmpi slt, %jit3A_132, %sign3A_144 : i32
      %sign3A_146 = arith.extui %sign3A_145 : i1 to i32
      %sign3A_147 = arith.subi %sign3A_143, %sign3A_146 : i32
      %ne3A_148 = arith.cmpi ne, %sign3A_140, %sign3A_147 : i32
      %rem3A_149 = arith.remsi %sub3A_131, %jit3A_132 : i32
      %ne3A_150 = arith.constant 0 : i32
      %ne3A_151 = arith.cmpi ne, %rem3A_149, %ne3A_150 : i32
      %and3A_152 = arith.andi %ne3A_148, %ne3A_151 : i1
      %sub3A_153 = arith.constant 1 : i32
      %sub3A_154 = arith.subi %div3A_133, %sub3A_153 : i32
      %select_n3A_155 = arith.select %and3A_152, %sub3A_154, %div3A_133 : i32
      %while3A_156 = arith.constant 0 : i32
      %while3A_157 = arith.subi %select_n3A_155, %while3A_156 : i32
      %while3A_158 = arith.addi %while3A_156, %while3A_157 : i32
      %while3A_159 = arith.constant 1 : i32
      %while3A_160 = arith.divsi %while3A_157, %while3A_159 : i32
      %while3A_161 = arith.muli %while3A_160, %while3A_159 : i32
      %while3A_162 = arith.addi %while3A_156, %while3A_161 : i32
      %while3A_163 = arith.constant 1 : i32
      %while3A_164:4 = scf.for %while3A_312 = %while3A_156 to %while3A_162 step %while3A_163 iter_args(%while3A_313 = %broadcast_in_dim3A_28, %while3A_314 = %broadcast_in_dim3A_30, %while3A_315 = %broadcast_in_dim3A_28, %while3A_316 = %broadcast_in_dim3A_30) -> (vector<16xf32>, vector<16xi32>, vector<16xf32>, vector<16xi32>)  : i32 {
        %mul3A_317 = arith.constant 16 : i32
        %mul3A_318 = arith.muli %while3A_312, %mul3A_317 : i32
        %mul3A_319 = arith.constant 16 : i32
        %mul3A_320 = arith.muli %while3A_312, %mul3A_319 : i32
        %add3A_321 = vector.broadcast %mul3A_320 : i32 to vector<16xi32>
        %add3A_322 = arith.addi %add3A_321, %iota3A : vector<16xi32>
        %lt3A_323 = vector.broadcast %while3A_127 : i32 to vector<16xi32>
        %lt3A_324 = arith.cmpi slt, %add3A_322, %lt3A_323 : vector<16xi32>
        %get3A_325 = arith.index_cast %mul3A_318 : i32 to index
        %get3A_326 = tpu.vector_load %arg16[%get3A_325] {strides = array<i32>} : memref<8224xf32, #tpu.memory_space<vmem>>, vector<16xf32>,
        %jit3A_327 = arith.constant 0x7F800000 : f32
        %broadcast_in_dim3A_328 = vector.broadcast %jit3A_327 : f32 to vector<16xf32>
        %select_n3A_329 = arith.select %lt3A_324, %get3A_326, %broadcast_in_dim3A_328 : vector<16xi1>, vector<16xf32>
        %get3A_330 = arith.index_cast %mul3A_318 : i32 to index
        %get3A_331 = tpu.vector_load %arg17[%get3A_330] {strides = array<i32>} : memref<8224xi32, #tpu.memory_space<vmem>>, vector<16xi32>,
        %jit3A_332 = arith.constant -1 : i32
        %broadcast_in_dim3A_333 = vector.broadcast %jit3A_332 : i32 to vector<16xi32>
        %select_n3A_334 = arith.select %lt3A_324, %get3A_331, %broadcast_in_dim3A_333 : vector<16xi1>, vector<16xi32>
        %masked_sort3A = arith.constant dense<true> : vector<16xi1>
        %masked_sort3A_335, %masked_sort3A_336, %masked_sort3A_337 = tpu.sort %select_n3A_329, %select_n3A_334 masked %masked_sort3A : (vector<16xf32>, vector<16xi32>, vector<16xi1>) -> (vector<16xi1>, vector<16xf32>, vector<16xi32>)
        %slice3A_338 = vector.extract_strided_slice %masked_sort3A_336 {offsets = [0], sizes = [1], strides = [1]} : vector<16xf32> to vector<1xf32>
        %squeeze3A_339 = vector.extract %slice3A_338[0] : f32 from vector<1xf32>
        %slice3A_340 = vector.extract_strided_slice %while3A_315 {offsets = [15], sizes = [1], strides = [1]} : vector<16xf32> to vector<1xf32>
        %squeeze3A_341 = vector.extract %slice3A_340[0] : f32 from vector<1xf32>
        %lt3A_342 = arith.cmpf olt, %squeeze3A_339, %squeeze3A_341 : f32
        %convert_element_type3A = arith.extui %lt3A_342 : i1 to i32
        %cond3A = arith.constant 0 : i32
        %cond3A_343 = arith.cmpi ne, %convert_element_type3A, %cond3A : i32
        %cond3A_344:4 = scf.if %cond3A_343 -> (vector<16xf32>, vector<16xi32>, vector<16xf32>, vector<16xi32>) {
          %rev3A = arith.constant 15 : i32
          %rev3A_345 = vector.broadcast %rev3A : i32 to vector<16xi32>
          %rev3A_346 = tpu.iota {dimensions = array<i32: 0>} : vector<16xi32>
          %rev3A_347 = arith.subi %rev3A_345, %rev3A_346 : vector<16xi32>
          %rev3A_348 = tpu.dynamic_gather %masked_sort3A_336[%rev3A_347] in [0] : vector<16xf32>, vector<16xi32> -> vector<16xf32>
          %rev3A_349 = arith.constant 15 : i32
          %rev3A_350 = vector.broadcast %rev3A_349 : i32 to vector<16xi32>
          %rev3A_351 = tpu.iota {dimensions = array<i32: 0>} : vector<16xi32>
          %rev3A_352 = arith.subi %rev3A_350, %rev3A_351 : vector<16xi32>
          %rev3A_353 = tpu.dynamic_gather %masked_sort3A_337[%rev3A_352] in [0] : vector<16xi32>, vector<16xi32> -> vector<16xi32>
          %le3A = arith.cmpf ole, %while3A_315, %rev3A_348 : vector<16xf32>
          %select_n3A_354 = arith.select %le3A, %while3A_315, %rev3A_348 : vector<16xi1>, vector<16xf32>
          %select_n3A_355 = arith.select %le3A, %while3A_316, %rev3A_353 : vector<16xi1>, vector<16xi32>
          %masked_sort3A_356 = arith.constant dense<true> : vector<16xi1>
          %masked_sort3A_357, %masked_sort3A_358, %masked_sort3A_359 = tpu.sort %select_n3A_354, %select_n3A_355 masked %masked_sort3A_356 : (vector<16xf32>, vector<16xi32>, vector<16xi1>) -> (vector<16xi1>, vector<16xf32>, vector<16xi32>)
          %rev3A_360 = arith.constant 15 : i32
          %rev3A_361 = vector.broadcast %rev3A_360 : i32 to vector<16xi32>
          %rev3A_362 = tpu.iota {dimensions = array<i32: 0>} : vector<16xi32>
          %rev3A_363 = arith.subi %rev3A_361, %rev3A_362 : vector<16xi32>
          %rev3A_364 = tpu.dynamic_gather %masked_sort3A_358[%rev3A_363] in [0] : vector<16xf32>, vector<16xi32> -> vector<16xf32>
          %rev3A_365 = arith.constant 15 : i32
          %rev3A_366 = vector.broadcast %rev3A_365 : i32 to vector<16xi32>
          %rev3A_367 = tpu.iota {dimensions = array<i32: 0>} : vector<16xi32>
          %rev3A_368 = arith.subi %rev3A_366, %rev3A_367 : vector<16xi32>
          %rev3A_369 = tpu.dynamic_gather %masked_sort3A_359[%rev3A_368] in [0] : vector<16xi32>, vector<16xi32> -> vector<16xi32>
          %le3A_370 = arith.cmpf ole, %while3A_313, %rev3A_364 : vector<16xf32>
          %select_n3A_371 = arith.select %le3A_370, %while3A_313, %rev3A_364 : vector<16xi1>, vector<16xf32>
          %select_n3A_372 = arith.select %le3A_370, %while3A_314, %rev3A_369 : vector<16xi1>, vector<16xi32>
          %select_n3A_373 = arith.select %le3A_370, %rev3A_364, %while3A_313 : vector<16xi1>, vector<16xf32>
          %select_n3A_374 = arith.select %le3A_370, %rev3A_369, %while3A_314 : vector<16xi1>, vector<16xi32>
          %masked_sort3A_375 = arith.constant dense<true> : vector<16xi1>
          %masked_sort3A_376, %masked_sort3A_377, %masked_sort3A_378 = tpu.sort %select_n3A_371, %select_n3A_372 masked %masked_sort3A_375 : (vector<16xf32>, vector<16xi32>, vector<16xi1>) -> (vector<16xi1>, vector<16xf32>, vector<16xi32>)
          %masked_sort3A_379 = arith.constant dense<true> : vector<16xi1>
          %masked_sort3A_380, %masked_sort3A_381, %masked_sort3A_382 = tpu.sort %select_n3A_373, %select_n3A_374 masked %masked_sort3A_379 : (vector<16xf32>, vector<16xi32>, vector<16xi1>) -> (vector<16xi1>, vector<16xf32>, vector<16xi32>)
          scf.yield %masked_sort3A_377, %masked_sort3A_378, %masked_sort3A_381, %masked_sort3A_382 : vector<16xf32>, vector<16xi32>, vector<16xf32>, vector<16xi32>
        } else {
          scf.yield %while3A_313, %while3A_314, %while3A_315, %while3A_316 : vector<16xf32>, vector<16xi32>, vector<16xf32>, vector<16xi32>
        }
        scf.yield %cond3A_344#0, %cond3A_344#1, %cond3A_344#2, %cond3A_344#3 : vector<16xf32>, vector<16xi32>, vector<16xf32>, vector<16xi32>
      }
      %while3A_165 = arith.constant 1 : i32
      %while3A_166:4 = scf.for %while3A_312 = %while3A_162 to %while3A_158 step %while3A_165 iter_args(%while3A_313 = %while3A_164#0, %while3A_314 = %while3A_164#1, %while3A_315 = %while3A_164#2, %while3A_316 = %while3A_164#3) -> (vector<16xf32>, vector<16xi32>, vector<16xf32>, vector<16xi32>)  : i32 {
        %mul3A_317 = arith.constant 16 : i32
        %mul3A_318 = arith.muli %while3A_312, %mul3A_317 : i32
        %mul3A_319 = arith.constant 16 : i32
        %mul3A_320 = arith.muli %while3A_312, %mul3A_319 : i32
        %add3A_321 = vector.broadcast %mul3A_320 : i32 to vector<16xi32>
        %add3A_322 = arith.addi %add3A_321, %iota3A : vector<16xi32>
        %lt3A_323 = vector.broadcast %while3A_127 : i32 to vector<16xi32>
        %lt3A_324 = arith.cmpi slt, %add3A_322, %lt3A_323 : vector<16xi32>
        %get3A_325 = arith.index_cast %mul3A_318 : i32 to index
        %get3A_326 = tpu.vector_load %arg16[%get3A_325] {strides = array<i32>} : memref<8224xf32, #tpu.memory_space<vmem>>, vector<16xf32>,
        %jit3A_327 = arith.constant 0x7F800000 : f32
        %broadcast_in_dim3A_328 = vector.broadcast %jit3A_327 : f32 to vector<16xf32>
        %select_n3A_329 = arith.select %lt3A_324, %get3A_326, %broadcast_in_dim3A_328 : vector<16xi1>, vector<16xf32>
        %get3A_330 = arith.index_cast %mul3A_318 : i32 to index
        %get3A_331 = tpu.vector_load %arg17[%get3A_330] {strides = array<i32>} : memref<8224xi32, #tpu.memory_space<vmem>>, vector<16xi32>,
        %jit3A_332 = arith.constant -1 : i32
        %broadcast_in_dim3A_333 = vector.broadcast %jit3A_332 : i32 to vector<16xi32>
        %select_n3A_334 = arith.select %lt3A_324, %get3A_331, %broadcast_in_dim3A_333 : vector<16xi1>, vector<16xi32>
        %masked_sort3A = arith.constant dense<true> : vector<16xi1>
        %masked_sort3A_335, %masked_sort3A_336, %masked_sort3A_337 = tpu.sort %select_n3A_329, %select_n3A_334 masked %masked_sort3A : (vector<16xf32>, vector<16xi32>, vector<16xi1>) -> (vector<16xi1>, vector<16xf32>, vector<16xi32>)
        %slice3A_338 = vector.extract_strided_slice %masked_sort3A_336 {offsets = [0], sizes = [1], strides = [1]} : vector<16xf32> to vector<1xf32>
        %squeeze3A_339 = vector.extract %slice3A_338[0] : f32 from vector<1xf32>
        %slice3A_340 = vector.extract_strided_slice %while3A_315 {offsets = [15], sizes = [1], strides = [1]} : vector<16xf32> to vector<1xf32>
        %squeeze3A_341 = vector.extract %slice3A_340[0] : f32 from vector<1xf32>
        %lt3A_342 = arith.cmpf olt, %squeeze3A_339, %squeeze3A_341 : f32
        %convert_element_type3A = arith.extui %lt3A_342 : i1 to i32
        %cond3A = arith.constant 0 : i32
        %cond3A_343 = arith.cmpi ne, %convert_element_type3A, %cond3A : i32
        %cond3A_344:4 = scf.if %cond3A_343 -> (vector<16xf32>, vector<16xi32>, vector<16xf32>, vector<16xi32>) {
          %rev3A = arith.constant 15 : i32
          %rev3A_345 = vector.broadcast %rev3A : i32 to vector<16xi32>
          %rev3A_346 = tpu.iota {dimensions = array<i32: 0>} : vector<16xi32>
          %rev3A_347 = arith.subi %rev3A_345, %rev3A_346 : vector<16xi32>
          %rev3A_348 = tpu.dynamic_gather %masked_sort3A_336[%rev3A_347] in [0] : vector<16xf32>, vector<16xi32> -> vector<16xf32>
          %rev3A_349 = arith.constant 15 : i32
          %rev3A_350 = vector.broadcast %rev3A_349 : i32 to vector<16xi32>
          %rev3A_351 = tpu.iota {dimensions = array<i32: 0>} : vector<16xi32>
          %rev3A_352 = arith.subi %rev3A_350, %rev3A_351 : vector<16xi32>
          %rev3A_353 = tpu.dynamic_gather %masked_sort3A_337[%rev3A_352] in [0] : vector<16xi32>, vector<16xi32> -> vector<16xi32>
          %le3A = arith.cmpf ole, %while3A_315, %rev3A_348 : vector<16xf32>
          %select_n3A_354 = arith.select %le3A, %while3A_315, %rev3A_348 : vector<16xi1>, vector<16xf32>
          %select_n3A_355 = arith.select %le3A, %while3A_316, %rev3A_353 : vector<16xi1>, vector<16xi32>
          %masked_sort3A_356 = arith.constant dense<true> : vector<16xi1>
          %masked_sort3A_357, %masked_sort3A_358, %masked_sort3A_359 = tpu.sort %select_n3A_354, %select_n3A_355 masked %masked_sort3A_356 : (vector<16xf32>, vector<16xi32>, vector<16xi1>) -> (vector<16xi1>, vector<16xf32>, vector<16xi32>)
          %rev3A_360 = arith.constant 15 : i32
          %rev3A_361 = vector.broadcast %rev3A_360 : i32 to vector<16xi32>
          %rev3A_362 = tpu.iota {dimensions = array<i32: 0>} : vector<16xi32>
          %rev3A_363 = arith.subi %rev3A_361, %rev3A_362 : vector<16xi32>
          %rev3A_364 = tpu.dynamic_gather %masked_sort3A_358[%rev3A_363] in [0] : vector<16xf32>, vector<16xi32> -> vector<16xf32>
          %rev3A_365 = arith.constant 15 : i32
          %rev3A_366 = vector.broadcast %rev3A_365 : i32 to vector<16xi32>
          %rev3A_367 = tpu.iota {dimensions = array<i32: 0>} : vector<16xi32>
          %rev3A_368 = arith.subi %rev3A_366, %rev3A_367 : vector<16xi32>
          %rev3A_369 = tpu.dynamic_gather %masked_sort3A_359[%rev3A_368] in [0] : vector<16xi32>, vector<16xi32> -> vector<16xi32>
          %le3A_370 = arith.cmpf ole, %while3A_313, %rev3A_364 : vector<16xf32>
          %select_n3A_371 = arith.select %le3A_370, %while3A_313, %rev3A_364 : vector<16xi1>, vector<16xf32>
          %select_n3A_372 = arith.select %le3A_370, %while3A_314, %rev3A_369 : vector<16xi1>, vector<16xi32>
          %select_n3A_373 = arith.select %le3A_370, %rev3A_364, %while3A_313 : vector<16xi1>, vector<16xf32>
          %select_n3A_374 = arith.select %le3A_370, %rev3A_369, %while3A_314 : vector<16xi1>, vector<16xi32>
          %masked_sort3A_375 = arith.constant dense<true> : vector<16xi1>
          %masked_sort3A_376, %masked_sort3A_377, %masked_sort3A_378 = tpu.sort %select_n3A_371, %select_n3A_372 masked %masked_sort3A_375 : (vector<16xf32>, vector<16xi32>, vector<16xi1>) -> (vector<16xi1>, vector<16xf32>, vector<16xi32>)
          %masked_sort3A_379 = arith.constant dense<true> : vector<16xi1>
          %masked_sort3A_380, %masked_sort3A_381, %masked_sort3A_382 = tpu.sort %select_n3A_373, %select_n3A_374 masked %masked_sort3A_379 : (vector<16xf32>, vector<16xi32>, vector<16xi1>) -> (vector<16xi1>, vector<16xf32>, vector<16xi32>)
          scf.yield %masked_sort3A_377, %masked_sort3A_378, %masked_sort3A_381, %masked_sort3A_382 : vector<16xf32>, vector<16xi32>, vector<16xf32>, vector<16xi32>
        } else {
          scf.yield %while3A_313, %while3A_314, %while3A_315, %while3A_316 : vector<16xf32>, vector<16xi32>, vector<16xf32>, vector<16xi32>
        }
        scf.yield %cond3A_344#0, %cond3A_344#1, %cond3A_344#2, %cond3A_344#3 : vector<16xf32>, vector<16xi32>, vector<16xf32>, vector<16xi32>
      }
      %swap3A_167 = arith.constant 0 : index
      %swap3A_168 = tpu.vector_load %arg18[%swap3A_167] {strides = array<i32>} : memref<64xf32, #tpu.memory_space<vmem>>, vector<16xf32>,
      tpu.vector_store %arg18[%swap3A_167], %broadcast_in_dim3A_28 {strides = array<i32>} : memref<64xf32, #tpu.memory_space<vmem>>, vector<16xf32>,
      %swap3A_169 = arith.constant 48 : index
      %swap3A_170 = tpu.vector_load %arg18[%swap3A_169] {strides = array<i32>} : memref<64xf32, #tpu.memory_space<vmem>>, vector<16xf32>,
      tpu.vector_store %arg18[%swap3A_169], %broadcast_in_dim3A_28 {strides = array<i32>} : memref<64xf32, #tpu.memory_space<vmem>>, vector<16xf32>,
      %swap3A_171 = arith.constant 16 : index
      %swap3A_172 = tpu.vector_load %arg18[%swap3A_171] {strides = array<i32>} : memref<64xf32, #tpu.memory_space<vmem>>, vector<16xf32>,
      tpu.vector_store %arg18[%swap3A_171], %while3A_166#0 {strides = array<i32>} : memref<64xf32, #tpu.memory_space<vmem>>, vector<16xf32>,
      %swap3A_173 = arith.constant 32 : index
      %swap3A_174 = tpu.vector_load %arg18[%swap3A_173] {strides = array<i32>} : memref<64xf32, #tpu.memory_space<vmem>>, vector<16xf32>,
      tpu.vector_store %arg18[%swap3A_173], %while3A_166#2 {strides = array<i32>} : memref<64xf32, #tpu.memory_space<vmem>>, vector<16xf32>,
      %get3A_175 = arith.constant 17 : index
      %get3A_176 = tpu.vector_load %arg18[%get3A_175] {strides = array<i32>} : memref<64xf32, #tpu.memory_space<vmem>>, vector<16xf32>,
      %get3A_177 = arith.constant 15 : index
      %get3A_178 = tpu.vector_load %arg18[%get3A_177] {strides = array<i32>} : memref<64xf32, #tpu.memory_space<vmem>>, vector<16xf32>,
      %get3A_179 = arith.constant 33 : index
      %get3A_180 = tpu.vector_load %arg18[%get3A_179] {strides = array<i32>} : memref<64xf32, #tpu.memory_space<vmem>>, vector<16xf32>,
      %get3A_181 = arith.constant 31 : index
      %get3A_182 = tpu.vector_load %arg18[%get3A_181] {strides = array<i32>} : memref<64xf32, #tpu.memory_space<vmem>>, vector<16xf32>,
      %and3A_183 = arith.constant 1 : i32
      %and3A_184 = vector.broadcast %and3A_183 : i32 to vector<16xi32>
      %and3A_185 = arith.andi %iota3A, %and3A_184 : vector<16xi32>
      %eq3A = arith.constant 0 : i32
      %eq3A_186 = vector.broadcast %eq3A : i32 to vector<16xi32>
      %eq3A_187 = arith.cmpi eq, %and3A_185, %eq3A_186 : vector<16xi32>
      %swap3A_188 = arith.constant 0 : index
      %swap3A_189 = tpu.vector_load %arg19[%swap3A_188] {strides = array<i32>} : memref<64xi32, #tpu.memory_space<vmem>>, vector<16xi32>,
      tpu.vector_store %arg19[%swap3A_188], %broadcast_in_dim3A_30 {strides = array<i32>} : memref<64xi32, #tpu.memory_space<vmem>>, vector<16xi32>,
      %swap3A_190 = arith.constant 48 : index
      %swap3A_191 = tpu.vector_load %arg19[%swap3A_190] {strides = array<i32>} : memref<64xi32, #tpu.memory_space<vmem>>, vector<16xi32>,
      tpu.vector_store %arg19[%swap3A_190], %broadcast_in_dim3A_30 {strides = array<i32>} : memref<64xi32, #tpu.memory_space<vmem>>, vector<16xi32>,
      %swap3A_192 = arith.constant 16 : index
      %swap3A_193 = tpu.vector_load %arg19[%swap3A_192] {strides = array<i32>} : memref<64xi32, #tpu.memory_space<vmem>>, vector<16xi32>,
      tpu.vector_store %arg19[%swap3A_192], %while3A_166#1 {strides = array<i32>} : memref<64xi32, #tpu.memory_space<vmem>>, vector<16xi32>,
      %swap3A_194 = arith.constant 32 : index
      %swap3A_195 = tpu.vector_load %arg19[%swap3A_194] {strides = array<i32>} : memref<64xi32, #tpu.memory_space<vmem>>, vector<16xi32>,
      tpu.vector_store %arg19[%swap3A_194], %while3A_166#3 {strides = array<i32>} : memref<64xi32, #tpu.memory_space<vmem>>, vector<16xi32>,
      %select_n3A_196 = arith.select %eq3A_187, %get3A_176, %get3A_178 : vector<16xi1>, vector<16xf32>
      %get3A_197 = arith.constant 17 : index
      %get3A_198 = tpu.vector_load %arg19[%get3A_197] {strides = array<i32>} : memref<64xi32, #tpu.memory_space<vmem>>, vector<16xi32>,
      %get3A_199 = arith.constant 15 : index
      %get3A_200 = tpu.vector_load %arg19[%get3A_199] {strides = array<i32>} : memref<64xi32, #tpu.memory_space<vmem>>, vector<16xi32>,
      %select_n3A_201 = arith.select %eq3A_187, %get3A_198, %get3A_200 : vector<16xi1>, vector<16xi32>
      %eq3A_202 = arith.cmpf oeq, %while3A_166#0, %select_n3A_196 : vector<16xf32>
      %gt3A = arith.cmpi sgt, %while3A_166#1, %select_n3A_201 : vector<16xi32>
      %gt3A_203 = arith.cmpi sgt, %select_n3A_201, %while3A_166#1 : vector<16xi32>
      %select_n3A_204 = arith.select %eq3A_187, %gt3A, %gt3A_203 : vector<16xi1>, vector<16xi1>
      %and3A_205 = arith.andi %eq3A_202, %select_n3A_204 : vector<16xi1>
      %select_n3A_206 = arith.select %eq3A_187, %get3A_180, %get3A_182 : vector<16xi1>, vector<16xf32>
      %get3A_207 = arith.constant 33 : index
      %get3A_208 = tpu.vector_load %arg19[%get3A_207] {strides = array<i32>} : memref<64xi32, #tpu.memory_space<vmem>>, vector<16xi32>,
      %get3A_209 = arith.constant 31 : index
      %get3A_210 = tpu.vector_load %arg19[%get3A_209] {strides = array<i32>} : memref<64xi32, #tpu.memory_space<vmem>>, vector<16xi32>,
      %select_n3A_211 = arith.select %eq3A_187, %get3A_208, %get3A_210 : vector<16xi1>, vector<16xi32>
      %eq3A_212 = arith.cmpf oeq, %while3A_166#2, %select_n3A_206 : vector<16xf32>
      %gt3A_213 = arith.cmpi sgt, %while3A_166#3, %select_n3A_211 : vector<16xi32>
      %gt3A_214 = arith.cmpi sgt, %select_n3A_211, %while3A_166#3 : vector<16xi32>
      %select_n3A_215 = arith.select %eq3A_187, %gt3A_213, %gt3A_214 : vector<16xi1>, vector<16xi1>
      %and3A_216 = arith.andi %eq3A_212, %select_n3A_215 : vector<16xi1>
      %select_n3A_217 = arith.select %and3A_205, %select_n3A_201, %while3A_166#1 : vector<16xi1>, vector<16xi32>
      %select_n3A_218 = arith.select %and3A_216, %select_n3A_211, %while3A_166#3 : vector<16xi1>, vector<16xi32>
      %swap3A_219 = arith.constant 0 : index
      %swap3A_220 = tpu.vector_load %arg19[%swap3A_219] {strides = array<i32>} : memref<64xi32, #tpu.memory_space<vmem>>, vector<16xi32>,
      tpu.vector_store %arg19[%swap3A_219], %broadcast_in_dim3A_30 {strides = array<i32>} : memref<64xi32, #tpu.memory_space<vmem>>, vector<16xi32>,
      %swap3A_221 = arith.constant 48 : index
      %swap3A_222 = tpu.vector_load %arg19[%swap3A_221] {strides = array<i32>} : memref<64xi32, #tpu.memory_space<vmem>>, vector<16xi32>,
      tpu.vector_store %arg19[%swap3A_221], %broadcast_in_dim3A_30 {strides = array<i32>} : memref<64xi32, #tpu.memory_space<vmem>>, vector<16xi32>,
      %swap3A_223 = arith.constant 16 : index
      %swap3A_224 = tpu.vector_load %arg19[%swap3A_223] {strides = array<i32>} : memref<64xi32, #tpu.memory_space<vmem>>, vector<16xi32>,
      tpu.vector_store %arg19[%swap3A_223], %select_n3A_217 {strides = array<i32>} : memref<64xi32, #tpu.memory_space<vmem>>, vector<16xi32>,
      %swap3A_225 = arith.constant 32 : index
      %swap3A_226 = tpu.vector_load %arg19[%swap3A_225] {strides = array<i32>} : memref<64xi32, #tpu.memory_space<vmem>>, vector<16xi32>,
      tpu.vector_store %arg19[%swap3A_225], %select_n3A_218 {strides = array<i32>} : memref<64xi32, #tpu.memory_space<vmem>>, vector<16xi32>,
      %not3A = arith.constant dense<true> : vector<16xi1>
      %not3A_227 = arith.xori %eq3A_187, %not3A : vector<16xi1>
      %select_n3A_228 = arith.select %not3A_227, %get3A_176, %get3A_178 : vector<16xi1>, vector<16xf32>
      %get3A_229 = arith.constant 17 : index
      %get3A_230 = tpu.vector_load %arg19[%get3A_229] {strides = array<i32>} : memref<64xi32, #tpu.memory_space<vmem>>, vector<16xi32>,
      %get3A_231 = arith.constant 15 : index
      %get3A_232 = tpu.vector_load %arg19[%get3A_231] {strides = array<i32>} : memref<64xi32, #tpu.memory_space<vmem>>, vector<16xi32>,
      %select_n3A_233 = arith.select %not3A_227, %get3A_230, %get3A_232 : vector<16xi1>, vector<16xi32>
      %eq3A_234 = arith.cmpf oeq, %while3A_166#0, %select_n3A_228 : vector<16xf32>
      %gt3A_235 = arith.cmpi sgt, %select_n3A_217, %select_n3A_233 : vector<16xi32>
      %gt3A_236 = arith.cmpi sgt, %select_n3A_233, %select_n3A_217 : vector<16xi32>
      %select_n3A_237 = arith.select %not3A_227, %gt3A_235, %gt3A_236 : vector<16xi1>, vector<16xi1>
      %and3A_238 = arith.andi %eq3A_234, %select_n3A_237 : vector<16xi1>
      %select_n3A_239 = arith.select %not3A_227, %get3A_180, %get3A_182 : vector<16xi1>, vector<16xf32>
      %get3A_240 = arith.constant 33 : index
      %get3A_241 = tpu.vector_load %arg19[%get3A_240] {strides = array<i32>} : memref<64xi32, #tpu.memory_space<vmem>>, vector<16xi32>,
      %get3A_242 = arith.constant 31 : index
      %get3A_243 = tpu.vector_load %arg19[%get3A_242] {strides = array<i32>} : memref<64xi32, #tpu.memory_space<vmem>>, vector<16xi32>,
      %select_n3A_244 = arith.select %not3A_227, %get3A_241, %get3A_243 : vector<16xi1>, vector<16xi32>
      %eq3A_245 = arith.cmpf oeq, %while3A_166#2, %select_n3A_239 : vector<16xf32>
      %gt3A_246 = arith.cmpi sgt, %select_n3A_218, %select_n3A_244 : vector<16xi32>
      %gt3A_247 = arith.cmpi sgt, %select_n3A_244, %select_n3A_218 : vector<16xi32>
      %select_n3A_248 = arith.select %not3A_227, %gt3A_246, %gt3A_247 : vector<16xi1>, vector<16xi1>
      %and3A_249 = arith.andi %eq3A_245, %select_n3A_248 : vector<16xi1>
      %select_n3A_250 = arith.select %and3A_238, %select_n3A_233, %select_n3A_217 : vector<16xi1>, vector<16xi32>
      %select_n3A_251 = arith.select %and3A_249, %select_n3A_244, %select_n3A_218 : vector<16xi1>, vector<16xi32>
      %swap3A_252 = arith.constant 0 : index
      %swap3A_253 = tpu.vector_load %arg19[%swap3A_252] {strides = array<i32>} : memref<64xi32, #tpu.memory_space<vmem>>, vector<16xi32>,
      tpu.vector_store %arg19[%swap3A_252], %broadcast_in_dim3A_30 {strides = array<i32>} : memref<64xi32, #tpu.memory_space<vmem>>, vector<16xi32>,
      %swap3A_254 = arith.constant 48 : index
      %swap3A_255 = tpu.vector_load %arg19[%swap3A_254] {strides = array<i32>} : memref<64xi32, #tpu.memory_space<vmem>>, vector<16xi32>,
      tpu.vector_store %arg19[%swap3A_254], %broadcast_in_dim3A_30 {strides = array<i32>} : memref<64xi32, #tpu.memory_space<vmem>>, vector<16xi32>,
      %swap3A_256 = arith.constant 16 : index
      %swap3A_257 = tpu.vector_load %arg19[%swap3A_256] {strides = array<i32>} : memref<64xi32, #tpu.memory_space<vmem>>, vector<16xi32>,
      tpu.vector_store %arg19[%swap3A_256], %select_n3A_250 {strides = array<i32>} : memref<64xi32, #tpu.memory_space<vmem>>, vector<16xi32>,
      %swap3A_258 = arith.constant 32 : index
      %swap3A_259 = tpu.vector_load %arg19[%swap3A_258] {strides = array<i32>} : memref<64xi32, #tpu.memory_space<vmem>>, vector<16xi32>,
      tpu.vector_store %arg19[%swap3A_258], %select_n3A_251 {strides = array<i32>} : memref<64xi32, #tpu.memory_space<vmem>>, vector<16xi32>,
      %select_n3A_260 = arith.select %eq3A_187, %get3A_176, %get3A_178 : vector<16xi1>, vector<16xf32>
      %get3A_261 = arith.constant 17 : index
      %get3A_262 = tpu.vector_load %arg19[%get3A_261] {strides = array<i32>} : memref<64xi32, #tpu.memory_space<vmem>>, vector<16xi32>,
      %get3A_263 = arith.constant 15 : index
      %get3A_264 = tpu.vector_load %arg19[%get3A_263] {strides = array<i32>} : memref<64xi32, #tpu.memory_space<vmem>>, vector<16xi32>,
      %select_n3A_265 = arith.select %eq3A_187, %get3A_262, %get3A_264 : vector<16xi1>, vector<16xi32>
      %eq3A_266 = arith.cmpf oeq, %while3A_166#0, %select_n3A_260 : vector<16xf32>
      %gt3A_267 = arith.cmpi sgt, %select_n3A_250, %select_n3A_265 : vector<16xi32>
      %gt3A_268 = arith.cmpi sgt, %select_n3A_265, %select_n3A_250 : vector<16xi32>
      %select_n3A_269 = arith.select %eq3A_187, %gt3A_267, %gt3A_268 : vector<16xi1>, vector<16xi1>
      %and3A_270 = arith.andi %eq3A_266, %select_n3A_269 : vector<16xi1>
      %select_n3A_271 = arith.select %eq3A_187, %get3A_180, %get3A_182 : vector<16xi1>, vector<16xf32>
      %get3A_272 = arith.constant 33 : index
      %get3A_273 = tpu.vector_load %arg19[%get3A_272] {strides = array<i32>} : memref<64xi32, #tpu.memory_space<vmem>>, vector<16xi32>,
      %get3A_274 = arith.constant 31 : index
      %get3A_275 = tpu.vector_load %arg19[%get3A_274] {strides = array<i32>} : memref<64xi32, #tpu.memory_space<vmem>>, vector<16xi32>,
      %select_n3A_276 = arith.select %eq3A_187, %get3A_273, %get3A_275 : vector<16xi1>, vector<16xi32>
      %eq3A_277 = arith.cmpf oeq, %while3A_166#2, %select_n3A_271 : vector<16xf32>
      %gt3A_278 = arith.cmpi sgt, %select_n3A_251, %select_n3A_276 : vector<16xi32>
      %gt3A_279 = arith.cmpi sgt, %select_n3A_276, %select_n3A_251 : vector<16xi32>
      %select_n3A_280 = arith.select %eq3A_187, %gt3A_278, %gt3A_279 : vector<16xi1>, vector<16xi1>
      %and3A_281 = arith.andi %eq3A_277, %select_n3A_280 : vector<16xi1>
      %select_n3A_282 = arith.select %and3A_270, %select_n3A_265, %select_n3A_250 : vector<16xi1>, vector<16xi32>
      %select_n3A_283 = arith.select %and3A_281, %select_n3A_276, %select_n3A_251 : vector<16xi1>, vector<16xi32>
      %mul3A_284 = arith.constant 32 : i32
      %mul3A_285 = arith.muli %scan3A_48, %mul3A_284 : i32
      %mul3A_286 = arith.constant 32 : i32
      %mul3A_287 = arith.muli %scan3A_48, %mul3A_286 : i32
      %add3A_288 = arith.constant 16 : i32
      %add3A_289 = arith.addi %mul3A_287, %add3A_288 : i32
      %swap3A_290 = arith.index_cast %mul3A_285 : i32 to index
      %swap3A_291 = tpu.vector_load %arg14[%swap3A_290] {strides = array<i32>} : memref<8192xi32, #tpu.memory_space<vmem>>, vector<16xi32>,
      tpu.vector_store %arg14[%swap3A_290], %select_n3A_282 {strides = array<i32>} : memref<8192xi32, #tpu.memory_space<vmem>>, vector<16xi32>,
      %swap3A_292 = arith.index_cast %add3A_289 : i32 to index
      %swap3A_293 = tpu.vector_load %arg14[%swap3A_292] {strides = array<i32>} : memref<8192xi32, #tpu.memory_space<vmem>>, vector<16xi32>,
      tpu.vector_store %arg14[%swap3A_292], %select_n3A_283 {strides = array<i32>} : memref<8192xi32, #tpu.memory_space<vmem>>, vector<16xi32>,
      %lt3A = arith.constant 0x7F800000 : f32
      %lt3A_294 = vector.broadcast %lt3A : f32 to vector<16xf32>
      %lt3A_295 = arith.cmpf olt, %while3A_166#0, %lt3A_294 : vector<16xf32>
      %jit3A_296 = arith.constant -1 : i32
      %broadcast_in_dim3A_297 = vector.broadcast %add3A_50 : i32 to vector<16xi32>
      %broadcast_in_dim3A_298 = vector.broadcast %jit3A_296 : i32 to vector<16xi32>
      %select_n3A_299 = arith.select %lt3A_295, %broadcast_in_dim3A_297, %broadcast_in_dim3A_298 : vector<16xi1>, vector<16xi32>
      %swap3A_300 = arith.index_cast %mul3A_285 : i32 to index
      %swap3A_301 = tpu.vector_load %arg15[%swap3A_300] {strides = array<i32>} : memref<8192xi32, #tpu.memory_space<vmem>>, vector<16xi32>,
      tpu.vector_store %arg15[%swap3A_300], %select_n3A_299 {strides = array<i32>} : memref<8192xi32, #tpu.memory_space<vmem>>, vector<16xi32>,
      %lt3A_302 = arith.constant 0x7F800000 : f32
      %lt3A_303 = vector.broadcast %lt3A_302 : f32 to vector<16xf32>
      %lt3A_304 = arith.cmpf olt, %while3A_166#2, %lt3A_303 : vector<16xf32>
      %jit3A_305 = arith.constant -1 : i32
      %broadcast_in_dim3A_306 = vector.broadcast %add3A_50 : i32 to vector<16xi32>
      %broadcast_in_dim3A_307 = vector.broadcast %jit3A_305 : i32 to vector<16xi32>
      %select_n3A_308 = arith.select %lt3A_304, %broadcast_in_dim3A_306, %broadcast_in_dim3A_307 : vector<16xi1>, vector<16xi32>
      %swap3A_309 = arith.index_cast %add3A_289 : i32 to index
      %swap3A_310 = tpu.vector_load %arg15[%swap3A_309] {strides = array<i32>} : memref<8192xi32, #tpu.memory_space<vmem>>, vector<16xi32>,
      tpu.vector_store %arg15[%swap3A_309], %select_n3A_308 {strides = array<i32>} : memref<8192xi32, #tpu.memory_space<vmem>>, vector<16xi32>,
      %scan3A_311 = arith.constant 0 : i32
      scf.yield %scan3A_311 : i32
    }
    %scan3A_45 = arith.constant 256 : i32
    %mul3A_46 = arith.constant 32 : i32
    %mul3A_47 = arith.muli %mul3A_2, %mul3A_46 : i32
    "tpu.region"() ({
      %run_scoped3A = tpu.sem_alloc : memref<!tpu.dma_semaphore, #tpu.memory_space<semaphore_mem>>
      %dma_start3A = tpu.memref_slice %arg6[%mul3A_47] : memref<262144xi32, #tpu.memory_space<hbm>> -> memref<8192xi32, #tpu.memory_space<hbm>>
      %dma_start3A_48 = tpu.memref_slice %arg6[%mul3A_47] : memref<262144xi32, #tpu.memory_space<hbm>> -> memref<8192xi32, #tpu.memory_space<hbm>>
      tpu.enqueue_dma source(%arg14 : memref<8192xi32, #tpu.memory_space<vmem>>) target(%dma_start3A_48 : memref<8192xi32, #tpu.memory_space<hbm>>) target_semaphore(%run_scoped3A : memref<!tpu.dma_semaphore, #tpu.memory_space<semaphore_mem>>)
      %dma_wait3A = tpu.memref_slice %arg6[%mul3A_47] : memref<262144xi32, #tpu.memory_space<hbm>> -> memref<8192xi32, #tpu.memory_space<hbm>>
      %dma_wait3A_49 = tpu.memref_slice %arg6[%mul3A_47] : memref<262144xi32, #tpu.memory_space<hbm>> -> memref<8192xi32, #tpu.memory_space<hbm>>
      tpu.wait_dma2 semaphore(%run_scoped3A : memref<!tpu.dma_semaphore, #tpu.memory_space<semaphore_mem>>) src(%arg14 : memref<8192xi32, #tpu.memory_space<vmem>>) dst(%dma_wait3A_49 : memref<8192xi32, #tpu.memory_space<hbm>>)
      tpu.yield
    }) : () -> ()
    "tpu.region"() ({
      %run_scoped3A = tpu.sem_alloc : memref<!tpu.dma_semaphore, #tpu.memory_space<semaphore_mem>>
      %dma_start3A = tpu.memref_slice %arg7[%mul3A_47] : memref<262144xi32, #tpu.memory_space<hbm>> -> memref<8192xi32, #tpu.memory_space<hbm>>
      %dma_start3A_48 = tpu.memref_slice %arg7[%mul3A_47] : memref<262144xi32, #tpu.memory_space<hbm>> -> memref<8192xi32, #tpu.memory_space<hbm>>
      tpu.enqueue_dma source(%arg15 : memref<8192xi32, #tpu.memory_space<vmem>>) target(%dma_start3A_48 : memref<8192xi32, #tpu.memory_space<hbm>>) target_semaphore(%run_scoped3A : memref<!tpu.dma_semaphore, #tpu.memory_space<semaphore_mem>>)
      %dma_wait3A = tpu.memref_slice %arg7[%mul3A_47] : memref<262144xi32, #tpu.memory_space<hbm>> -> memref<8192xi32, #tpu.memory_space<hbm>>
      %dma_wait3A_49 = tpu.memref_slice %arg7[%mul3A_47] : memref<262144xi32, #tpu.memory_space<hbm>> -> memref<8192xi32, #tpu.memory_space<hbm>>
      tpu.wait_dma2 semaphore(%run_scoped3A : memref<!tpu.dma_semaphore, #tpu.memory_space<semaphore_mem>>) src(%arg15 : memref<8192xi32, #tpu.memory_space<vmem>>) dst(%dma_wait3A_49 : memref<8192xi32, #tpu.memory_space<hbm>>)
      tpu.yield
    }) : () -> ()
    return
  }
}

</mosaic_0001>

<sc_bundles>
// kernel: kernel.3.cloned.1.call-start
scs
__scs_entry_jumppad:
0x0: {  	(pc) =	sbr.rel $0x88, $3  }
0x1: {  	(tag) =	ssettag $0x0;
	lr =	simm.s32 $0x1  }
0x2: {  	[smem:$0x3F9F] =	sst lr;
	_ =	strace $0xD0000000  }
0x3: {  	_ = 	snop  }
0x4: {  	_ = 	snop  }
0x5: {  	_ = 	snop  }
0x6: {  	_ = 	snop  }
0x7: {  	_ = 	snop  }
__scs_overlays_trampoline_lowered:
0x8: {  	[smem:$0x3FAE] =	sst s0  }
0x9: {  	[smem:$0x3FAF] =	sst s1  }
0xa: {  	[smem:$0x3FB0] =	sst s2  }
0xb: {  	[smem:$0x3FB1] =	sst s3  }
0xc: {  	[smem:$0x3FB2] =	sst s4  }
0xd: {  	[smem:$0x3FB3] =	sst s5  }
0xe: {  	[smem:$0x3FB4] =	sst s6  }
0xf: {  	[smem:$0x3FB5] =	sst s7  }
0x10: {  	[smem:$0x3FB6] =	sst s8  }
0x11: {  	[smem:$0x3FB7] =	sst s9;
	s0 =	simm.s32 @!p0 $0x0  }
0x12: {  	s1 =	sld [smem:$0x3F9D];
	s0 =	simm.s32 @p0 $0x1  }
0x13: {  	[smem:$0x3FB8] =	sst s0;
	s0 =	simm.s32 @!p1 $0x0  }
0x14: {  	s2 =	sld [smem:$0x3F9C];
	s0 =	simm.s32 @p1 $0x1  }
0x15: {  	[smem:$0x3FB9] =	sst s0;
	s0 =	simm.s32 @!p2 $0x0  }
0x16: {  	s3 =	sld [smem:$0x3FDB];
	s0 =	simm.s32 @p2 $0x1  }
0x17: {  	s4 =	simm.s32 $0x1BF5;
	[smem:$0x3FBB] =	sst s0  }
0x18: {  	s0 =	sld [smem:$0x3F9E];
	_ =	swait.ge [sflag:s4], $0x0  }
0x19: {  	s7 =	sld [smem:$0x3F9F]  }
0x1a: {  	s8 =	sadd.s32 $0xFFFFE003, lr  }
0x1b: {  	s9 =	sadd.s32 $0xFFFFFEF7, lr;
	s5 =	simm.s32 $0xFFFFFFFF;
	p2 =	slt.u32 s8, $0xFFFFF086  }
0x1c: {  	p1 =	slt.u32 s9, $0xF7A;
	s5 =	simm.s32 @!p2 $0x0  }
0x1d: {  	s5 =	simm.s32 @p1 $0x1;
	p0 =	seq.s32 s7, s2  }
0x1e: {  	s7 =	smul.u32 @!p0 $0xF7A, s2;
	p2 =	seq.s32 @!p0 s5, $0x0  }
0x1f: {  	s9 =	smul.u32 $0xF7A, s1;
	s8 =	simm.s32 @!p0 $0x1BF5;
	p2 =	por !p2, p0  }
0x20: {  	[sflag:s8] =	ssyncset.s32 @!p0 $0xFFFFF086;
	s6 =	sadd.s32 @!p0 s3, s7;
	s7 =	simm.s32 @!p0 $0x108  }
0x21: {  	s3 =	sadd.s32 s3, s9;
	s6 =	sadd.s32 @!p0 $0x88, s6;
	s7 =	simm.s32 @p2 $0x1082  }
0x22: {  	[simem:s7], [sflag:s8] =	dma.local @!p0 [hbm:s6], $0xF7A  }
0x23: {  	s9 =	sor.u32 $0xD0000000, s2;
	s6 =	simm.s32 $0x108;
	_ =	swait.ge @!p0 [sflag:s8], $0x0  }
0x24: {  	s3 =	sadd.s32 $0x88, s3;
	s6 =	simm.s32 @!p1 $0x1082;
	[sflag:s4] =	ssyncset.s32 $0xFFFFF086  }
0x25: {  	[simem:s6], [sflag:s4] =	dma.local [hbm:s3], $0xF7A  }
0x26: {  	[smem:$0x3F9F] =	sst s1;
	(tag) =	ssettag s2;
	_ =	strace s9  }
0x27: {  	s1 =	sld [smem:$0x3FAF]  }
0x28: {  	s2 =	sld [smem:$0x3FB0]  }
0x29: {  	s4 =	sld [smem:$0x3FB2]  }
0x2a: {  	p0 =	seq.s32 s5, $0x0;
	s5 =	sld [smem:$0x3FB3]  }
0x2b: {  	s6 =	sld [smem:$0x3FB4]  }
0x2c: {  	s7 =	sld [smem:$0x3FB5]  }
0x2d: {  	s3 =	simm.s32 $0x108;
	s8 =	sld [smem:$0x3FB6]  }
0x2e: {  	s3 =	simm.s32 @!p0 $0x1082;
	s9 =	sld [smem:$0x3FB7]  }
0x2f: {  	lr =	sadd.s32 s0, s3;
	s0 =	sld [smem:$0x3FAE]  }
0x30: {  	s3 =	sld [smem:$0x3FB1]  }
0x31: {  	[smem:$0x3FBA] =	sst s10  }
0x32: {  	s10 =	sld [smem:$0x3FB8];
	_ =	sdelay $0x3  }
0x33: {  	p0 =	seq.s32 s10, $0x1;
	s10 =	sld [smem:$0x3FBA];
	_ =	sdelay $0x3  }
0x34: {  	[smem:$0x3FBA] =	sst s10  }
0x35: {  	s10 =	sld [smem:$0x3FB9];
	_ =	sdelay $0x3  }
0x36: {  	p1 =	seq.s32 s10, $0x1;
	s10 =	sld [smem:$0x3FBA];
	_ =	sdelay $0x3  }
0x37: {  	[smem:$0x3FBA] =	sst s10  }
0x38: {  	s10 =	sld [smem:$0x3FBB]  }
0x39: {  	_ = 	snop;
	(pc) =	sbr.ind lr, $3  }
0x3a: {  	_ = 	snop  }
0x3b: {  	_ = 	snop  }
0x3c: {  	p2 =	seq.s32 s10, $0x1;
	s10 =	sld [smem:$0x3FBA]  }
0x3d: {  	_ =	shalt  }
0x3e: {  	_ =	shalt  }
0x3f: {  	_ =	shalt  }
0x40: {  	_ =	shalt  }
0x41: {  	_ =	shalt  }
0x42: {  	_ =	shalt  }
0x43: {  	_ =	shalt  }
0x44: {  	_ =	shalt  }
0x45: {  	_ =	shalt  }
0x46: {  	_ =	shalt  }
0x47: {  	_ =	shalt  }
0x48: {  	_ =	shalt  }
0x49: {  	_ =	shalt  }
0x4a: {  	_ =	shalt  }
0x4b: {  	_ =	shalt  }
0x4c: {  	_ =	shalt  }
0x4d: {  	_ =	shalt  }
0x4e: {  	_ =	shalt  }
0x4f: {  	_ =	shalt  }
0x50: {  	_ =	shalt  }
0x51: {  	_ =	shalt  }
0x52: {  	_ =	shalt  }
0x53: {  	_ =	shalt  }
0x54: {  	_ =	shalt  }
0x55: {  	_ =	shalt  }
0x56: {  	_ =	shalt  }
0x57: {  	_ =	shalt  }
0x58: {  	_ =	shalt  }
0x59: {  	_ =	shalt  }
0x5a: {  	_ =	shalt  }
0x5b: {  	_ =	shalt  }
0x5c: {  	_ =	shalt  }
0x5d: {  	_ =	shalt  }
0x5e: {  	_ =	shalt  }
0x5f: {  	_ =	shalt  }
0x60: {  	_ =	shalt  }
0x61: {  	_ =	shalt  }
0x62: {  	_ =	shalt  }
0x63: {  	_ =	shalt  }
0x64: {  	_ =	shalt  }
0x65: {  	_ =	shalt  }
0x66: {  	_ =	shalt  }
0x67: {  	_ =	shalt  }
0x68: {  	_ =	shalt  }
0x69: {  	_ =	shalt  }
0x6a: {  	_ =	shalt  }
0x6b: {  	_ =	shalt  }
0x6c: {  	_ =	shalt  }
0x6d: {  	_ =	shalt  }
0x6e: {  	_ =	shalt  }
0x6f: {  	_ =	shalt  }
0x70: {  	_ =	shalt  }
0x71: {  	_ =	shalt  }
0x72: {  	_ =	shalt  }
0x73: {  	_ =	shalt  }
0x74: {  	_ =	shalt  }
0x75: {  	_ =	shalt  }
0x76: {  	_ =	shalt  }
0x77: {  	_ =	shalt  }
0x78: {  	_ =	shalt  }
0x79: {  	_ =	shalt  }
0x7a: {  	_ =	shalt  }
0x7b: {  	_ =	shalt  }
0x7c: {  	_ =	shalt  }
0x7d: {  	_ =	shalt  }
0x7e: {  	_ =	shalt  }
0x7f: {  	_ =	shalt  }
0x80: {  	_ =	shalt  }
0x81: {  	_ =	shalt  }
0x82: {  	_ =	shalt  }
0x83: {  	_ =	shalt  }
0x84: {  	_ =	shalt  }
0x85: {  	_ =	shalt  }
0x86: {  	_ =	shalt  }
0x87: {  	_ =	shalt  }
.Lfunc_end0:
.L_simem_size_0:
called_computation_lowered:
.L_overlay_start_0:
0x88: {  	s2 =	sld [smem:$0x3FD9]  }
0x89: {  	s3 =	sld [smem:$0x3FFE];
	_ =	sdelay $0x1  }
0x8a: {  	s1 =	srdreg.scid  }
0x8b: {  	s0 =	sand.u32 $0x1, s1  }
0x8c: {  	s17 =	sshll.u32 s0, $0xA;
	s2 =	sadd.s32 s3, s2  }
0x8d: {  	s2 =	sadd.s32 s2, s17  }
0x8e: {  	[smem:$0x3FC6] =	sst s2  }
0x8f: {  	_ = 	snop  }
0x90: {  	s2 =	sld [smem:$0x3FC8]  }
0x91: {  	s18 =	sld [smem:$0x3FD0];
	(tm) =	ssettm $0x1  }
0x92: {  	s4 =	sld [smem:$0x3FFB];
	_ =	sdelay $0x3  }
0x93: {  	_ =	strace s4  }
0x94: {  	s4 =	sld [smem:$0x3FFC];
	_ =	sdelay $0x3  }
0x95: {  	_ =	strace s4  }
0x96: {  	s4 =	sld [smem:$0x3FFD];
	_ =	sdelay $0x3  }
0x97: {  	_ =	strace s4  }
0x98: {  	_ =	strace $0x8FFFFFFF  }
0x99: {  	s19 =	sld [smem:$0x3FDB];
	_ =	sdelay $0x1  }
0x9a: {  	s5 =	simm.s32 $_scs_section_size  }
0x9b: {  	s6 =	simm.s32 $_size__tile_overlayer_lowered;
	s7 =	simm.s32 $_tile_overlayer_lowered  }
0x9c: {  	s22 =	simm.s32 $0x1BFF;
	s21 =	sshll.u32 s7, $0x1;
	s4 =	sadd.s32 s5, s19  }
0x9d: {  	s8 =	simm.s32 $0x0;
	s20 =	sshll.u32 s6, $0x1;
	s6 =	sadd.s32 s21, s4  }
0x9e: {  	[timem:s8], [sflag:s22] =	dma.local [hbm:s6], s20  }
0x9f: {  	_ =	swait.ge [sflag:s22], s20  }
0xa0: {  	s5 =	ssub.s32 $0x0, s20;
	[sflag:s22] =	ssyncset.done $0x0  }
0xa1: {  	[sflag:s22] =	ssyncadd.s32 s5;
	_ =	sdelay $0x1  }
0xa2: {  	s23 =	simm.s32 $0x1B8B  }
0xa3: {  	_ =	swait.ge [sflag:s23], $0x1  }
0xa4: {  	[sflag:s23] =	ssyncset.done $0x0  }
0xa5: {  	s25 =	simm.s32 $0x1B8E;
	s24 =	sld [smem:$0x3FFE];
	[sflag:s23] =	ssyncadd.s32 $0xFFFFFFFF  }
0xa6: {  	s26 =	simm.s32 $execute0_lowered;
	[smem:$0x3FD2] =	sst s25  }
0xa7: {  	s6 =	sshll.u32 s26, $0x1;
	_ =	strace $0x80000046;
	[dreg:$0x1] =	wrdreg $0xFFFFFFFF  }
0xa8: {  	s28 =	simm.s32 $_size_execute0_lowered;
	s4 =	sadd.s32 s4, s6;
	[dreg:$0x0] =	wrdreg $0x0  }
0xa9: {  	s6 =	sshll.u32 s28, $0x1;
	[dreg:$0x2] =	wrdreg s4  }
0xaa: {  	[dreg:$0x3] =	wrdreg s6  }
0xab: {  	[dreg:$0x4] =	wrdreg $0xC0  }
0xac: {  	_ =	task [dreg:s8], $0x5FFFF  }
0xad: {  	[dreg:$0x1] =	wrdreg $0xFFFFFFFF  }
0xae: {  	[dreg:$0x0] =	wrdreg $0x60  }
0xaf: {  	[dreg:$0x2] =	wrdreg s24  }
0xb0: {  	[dreg:$0x3] =	wrdreg s18  }
0xb1: {  	[dreg:$0x4] =	wrdreg s2  }
0xb2: {  	[dreg:$0x5] =	wrdreg $0x9  }
0xb3: {  	_ =	task.clear_ibuf [dreg:s8], $0x6FFFF;
	_ =	strace $0x90000046  }
0xb4: {  	s29 =	simm.s32 $0x9;
	_ =	strace $0x80000048  }
0xb5: {  	_ =	swait.ge [sflag:s29], $0x1  }
0xb6: {  	[sflag:s29] =	ssyncadd.s32 $0xFFFFFFFF  }
0xb7: {  	_ =	strace $0x90000048  }
0xb8: {  	_ =	sfence  }
0xb9: {  	s30 =	sld [smem:$0x0];
	_ =	sdelay $0x2  }
0xba: {  	s31 =	sshll.u32 s1, $0xD;
	s1 =	sshrl.u32 s1, $0x2  }
0xbb: {  	s3 =	sand.u32 $0x4000, s31;
	s1 =	sadd.s32 s1, s30  }
0xbc: {  	s0 =	sor.u32 s3, s0;
	s1 =	sshll.u32 s1, $0x11  }
0xbd: {  	s0 =	sor.u32 s1, s0  }
0xbe: {  	s0 =	sadd.s32 $0x8F2B, s0  }
0xbf: {  	[sflag:s0] =	ssyncadd.remote.s32 $0x1  }
0xc0: {  	_ =	sfence.sel $0xFFFF  }
0xc1: {  	[dreg:$0x0] =	wrdreg $0xFFFFFFFF;
	(pc) =	sbr.abs _section_cstart, $3  }
0xc2: {  	[dreg:$0x1] =	wrdreg $0xFFFFFFFF  }
0xc3: {  	_ =	task.clear_ibuf [dreg:s8], $0x2FFFF;
	_ =	strace $0x9FFFFFFF  }
0xc4: {  	(tm) =	ssettm $0x7FFFFFFF  }
0xc5: {  	_ =	shalt  }
tec
execute0_lowered:
.L_overlay_start_1:
0x0: {  	(tag) =	ssettag $0x1  }
0x1: {  	s7 =	rddreg [dreg:$0x0]  }
0x2: {  	s1 =	rddreg [dreg:$0x1]  }
0x3: {  	s3 =	rddreg [dreg:$0x2]  }
0x4: {  	s0 =	rddreg [dreg:$0x3]  }
0x5: {  	s4 =	simm.s32 $0x0;
	s5 =	srdreg.scid;
	s2 =	stileid.u32;
	vm0 =	vcmask $0xB08;
	vm1 =	vcmask $0x300  }
0x6: {  	s11 =	simm.s32 $0x1;
	s12 =	simm.s32 $0x2080;
	s13 =	simm.s32 $0x4100;
	vm0 =	vmor vm1, vm0;
	vm1 =	vcmask $0x1310  }
0x7: {  	s14 =	simm.s32 $0x8200;
	s15 =	simm.s32 $0xA280;
	s16 =	simm.s32 $0xC280;
	vm0 =	vmor vm0, vm1;
	vm1 =	vcmask $0x1B18  }
0x8: {  	s17 =	simm.s32 $0x0;
	[smem:$0x7FF] =	sst s4;
	s6 =	sand.u32 $0x1, s5;
	vm0 =	vmor vm0, vm1;
	vm1 =	vcmask $0x2320  }
.Ltmp0:
0x9: {  	s30 =	sshll.u32 s2, $0x1;
	s5 =	sadd.s32 $0xE00, s7;
	vm0 =	vmor vm0, vm1;
	vm1 =	vcmask $0x2B28;
	(pc) =	sbr.rel .LBB2_1-.Ltmp0, $4  }
0xa: {  	v0 =	vimm.f32 $0.0e+00;
	_ =	strace $0x80000047;
	s8 =	sor.u32 s6, s30;
	s10 =	ssub.s32 $0x2, s6;
	vm0 =	vmor vm0, vm1;
	vm1 =	vcmask $0x3330  }
0xb: {  	v1 =	vimm.f32 $+Inf;
	s6 =	sadd.s32 $0xA00, s7;
	s9 =	sshll.u32 s8, $0xA;
	s31 =	sshrl.u32 s10, $0x1;
	vm0 =	vmor vm0, vm1;
	vm1 =	vcmask $0x3B38  }
0xc: {  	v2 =	vimm.s32 $0x8;
	v3 =	vlaneseq.u32;
	s9 =	sadd.s32 s9, s7;
	s10 =	ssub.s32 s10, s31;
	s7 =	sshll.u32 s8, $0x8;
	vm0 =	vmor vm0, vm1  }
0xd: {  	v4 =	vimm.s32 $0xFFFFFFFF;
	s8 =	sadd.s32 $0x1200, s9;
	s9 =	sadd.s32 $0x9200, s9;
	s10 =	smax.u32 s10, $0x1;
	v5 =	vmov s7;
	vm1 =	vmneg vm0  }
.LBB2_17:
0xe: {  	[hbm4b:s8+s4] =	stream.linear.scatter [tilespmem:s15], [sflag:$0x1], $0x2000, $0x38;
	[tilespmem:$0x12480] =	vst v63  }
0xf: {  	s17 =	sadd.s32 $0x1, s17;
	_ =	swait.ge [sflag:s11], $0x2000  }
0x10: {  	p0 =	sne.s32 s17, s10;
	[sflag:s11] =	ssyncset.done $0x0  }
.Ltmp1:
0x11: {  	[sflag:s11] =	ssyncadd.s32 $0xFFFFE000;
	(pc) =	sbr.rel @!p0 .LBB2_18-.Ltmp1, $4  }
0x12: {  	[hbm4b:s9+s4] =	stream.linear.scatter [tilespmem:s16], [sflag:$0x1], $0x2000, $0x38;
	[tilespmem:$0x12480] =	vst v63  }
0x13: {  	_ =	swait.ge [sflag:s11], $0x2000  }
0x14: {  	[sflag:s11] =	ssyncset.done $0x0  }
0x15: {  	[sflag:s11] =	ssyncadd.s32 $0xFFFFE000  }
.LBB2_1:
0x16: {  	[tilespmem:s4], [sflag:$0x1] =	stream.linear.gather [hbm4b:s5+s4], $0x2000, $0x38;
	[tilespmem:$0x12480] =	vst v63  }
0x17: {  	_ =	swait.ge [sflag:s11], $0x2000  }
0x18: {  	[sflag:s11] =	ssyncset.done $0x0  }
0x19: {  	[sflag:s11] =	ssyncadd.s32 $0xFFFFE000  }
0x1a: {  	[tilespmem:s12], [sflag:$0x1] =	stream.linear.gather [hbm4b:s6+s4], $0x2000, $0x38;
	[tilespmem:$0x12480] =	vst v63  }
0x1b: {  	_ =	swait.ge [sflag:s11], $0x2000  }
0x1c: {  	[sflag:s11] =	ssyncset.done $0x0  }
0x1d: {  	[sflag:s11] =	ssyncadd.s32 $0xFFFFE000  }
0x1e: {  	[tilespmem:s13], [sflag:$0x1] =	stream.linear.gather [hbm4b:s1+s4], $0x2000, $0x38;
	[tilespmem:$0x12480] =	vst v63  }
0x1f: {  	_ =	swait.ge [sflag:s11], $0x2000  }
0x20: {  	[sflag:s11] =	ssyncset.done $0x0  }
0x21: {  	[sflag:s11] =	ssyncadd.s32 $0xFFFFE000  }
0x22: {  	[tilespmem:s14], [sflag:$0x1] =	stream.linear.gather [hbm4b:s3+s4], $0x2000, $0x38;
	[tilespmem:$0x12480] =	vst v63  }
0x23: {  	_ =	swait.ge [sflag:s11], $0x2000  }
0x24: {  	[sflag:s11] =	ssyncset.done $0x0  }
0x25: {  	[sflag:s11] =	ssyncadd.s32 $0xFFFFE000  }
0x26: {  	[tilespmem:$0x2000] =	vst v0  }
0x27: {  	[tilespmem:$0x4080] =	vst v0  }
0x28: {  	[tilespmem:$0x6100] =	vst v0  }
0x29: {  	[tilespmem:$0x8180] =	vst v1  }
0x2a: {  	s18 =	simm.s32 $0x0;
	[tilespmem:$0xA200] =	vst v2  }
0x2b: {  	v6 =	vld [tilespmem:s18+$0x0];
	_ =	sdelay $0x1  }
0x2c: {  	v7 =	vld [tilespmem:s18+$0x2080]  }
0x2d: {  	v8 =	vld [tilespmem:s18+$0x4100];
	_ =	sdelay $0x1  }
0x2e: {  	v9 =	vshrl.u32 v6, $0x10  }
0x2f: {  	v9 =	vand.u32 $0x1, v9  }
0x30: {  	v10 =	vmul.f32 v6, v6;
	v11 =	vshrl.u32 v7, $0x10;
	v6 =	vadd.s32 v9, v6  }
0x31: {  	v9 =	vand.u32 $0x1, v11;
	v11 =	vshrl.u32 v8, $0x10;
	v6 =	vadd.s32 $0x7FFF, v6  }
0x32: {  	v9 =	vadd.s32 v9, v7;
	v11 =	vand.u32 $0x1, v11;
	v7 =	vmul.f32 v7, v7  }
0x33: {  	v6 =	vand.u32 $0xFFFF0000, v6;
	v9 =	vadd.s32 $0x7FFF, v9;
	v11 =	vadd.s32 v11, v8  }
0x34: {  	s20 =	simm.s32 $0x10;
	[tilespmem:s18+$0x0] =	vst v6;
	v9 =	vand.u32 $0xFFFF0000, v9;
	v11 =	vadd.s32 $0x7FFF, v11  }
0x35: {  	s19 =	simm.s32 $0x80;
	v8 =	vmul.f32 v8, v8;
	v7 =	vadd.f32 v7, v10;
	v6 =	vld [tilespmem:s20+$0x0];
	[tilespmem:s18+$0x2080] =	vst v9;
	v9 =	vand.u32 $0xFFFF0000, v11  }
.LBB2_2:
0x36: {  	p0 =	sne.s32 s19, $0x7FC0;
	v10 =	vld [tilespmem:s20+$0x2080];
	[tilespmem:s18+$0x4100] =	vst v9  }
0x37: {  	v9 =	vld [tilespmem:s20+$0x4100];
	v7 =	vadd.f32 v8, v7;
	_ =	sdelay $0x1  }
0x38: {  	[tilespmem:s18+$0x6180] =	vst v7;
	s18 =	smov.u32 s20  }
0x39: {  	v7 =	vmul.f32 v6, v6;
	v8 =	vshrl.u32 v6, $0x10  }
0x3a: {  	v11 =	vmul.f32 v10, v10;
	v8 =	vand.u32 $0x1, v8;
	v12 =	vshrl.u32 v10, $0x10  }
.Ltmp2:
0x3b: {  	v6 =	vadd.s32 v8, v6;
	v8 =	vand.u32 $0x1, v12;
	v12 =	vshrl.u32 v9, $0x10;
	(pc) =	sbr.rel @p0 .LBB2_2-.Ltmp2, $4  }
0x3c: {  	v6 =	vadd.s32 $0x7FFF, v6;
	v8 =	vadd.s32 v8, v10;
	v10 =	vand.u32 $0x1, v12  }
0x3d: {  	v6 =	vand.u32 $0xFFFF0000, v6;
	v8 =	vadd.s32 $0x7FFF, v8;
	v10 =	vadd.s32 v10, v9  }
0x3e: {  	s20 =	sshra.s32 s19, $0x2;
	v7 =	vadd.f32 v11, v7;
	[tilespmem:s18+$0x0] =	vst v6;
	v11 =	vand.u32 $0xFFFF0000, v8;
	v10 =	vadd.s32 $0x7FFF, v10  }
0x3f: {  	s19 =	sadd.s32 $0x40, s19;
	v8 =	vmul.f32 v9, v9;
	v6 =	vld [tilespmem:s20+$0x0];
	[tilespmem:s18+$0x2080] =	vst v11;
	v9 =	vand.u32 $0xFFFF0000, v10  }
0x40: {  	v10 =	vld [tilespmem:s20+$0x2080]  }
0x41: {  	[tilespmem:s18+$0x4100] =	vst v9  }
0x42: {  	v9 =	vld [tilespmem:s20+$0x4100];
	_ =	sdelay $0x1  }
0x43: {  	v7 =	vadd.f32 v8, v7;
	v61 =	vshrl.u32 v6, $0x10  }
0x44: {  	v11 =	vmul.f32 v6, v6;
	v8 =	vand.u32 $0x1, v61;
	v12 =	vshrl.u32 v10, $0x10  }
0x45: {  	v62 =	vmul.f32 v10, v10;
	v6 =	vadd.s32 v8, v6;
	v12 =	vand.u32 $0x1, v12  }
0x46: {  	v63 =	vshrl.u32 v9, $0x10;
	v10 =	vadd.s32 v12, v10;
	v6 =	vadd.s32 $0x7FFF, v6  }
0x47: {  	v12 =	vand.u32 $0x1, v63;
	v8 =	vadd.f32 v62, v11;
	v6 =	vand.u32 $0xFFFF0000, v6  }
0x48: {  	[tilespmem:s18+$0x6180] =	vst v7;
	v10 =	vadd.s32 $0x7FFF, v10;
	v7 =	vadd.s32 v12, v9;
	v9 =	vmul.f32 v9, v9  }
0x49: {  	[tilespmem:s20+$0x0] =	vst v6;
	v6 =	vand.u32 $0xFFFF0000, v10;
	v7 =	vadd.s32 $0x7FFF, v7  }
0x4a: {  	[tilespmem:s20+$0x2080] =	vst v6;
	v6 =	vand.u32 $0xFFFF0000, v7;
	v7 =	vadd.f32 v9, v8  }
0x4b: {  	[tilespmem:s20+$0x4100] =	vst v6  }
0x4c: {  	s19 =	simm.s32 $0x0;
	[tilespmem:s20+$0x6180] =	vst v7  }
.LBB2_4:
0x4d: {  	s21 =	simm.s32 $0x2000  }
0x4e: {  	s22 =	simm.s32 $0x2000;
	s20 =	simm.s32 $0xD;
	s18 =	simm.s32 $0x0  }
.LBB2_5:
0x4f: {  	s23 =	smov.u32 s21  }
0x50: {  	p0 =	sne.s32 s20, $0x1;
	s21 =	sand.u32 $0x1, s22  }
0x51: {  	p1 =	slt.s32 s22, $0x1;
	p2 =	seq.s32 s21, $0x1  }
0x52: {  	s21 =	sshrl.u32 s22, $0x1F;
	p1 =	por !p1, !p2  }
0x53: {  	s21 =	sadd.s32 s21, s22;
	s22 =	simm.s32 $0x1;
	p1 =	por !p1, !p1  }
0x54: {  	s21 =	sshra.s32 s21, $0x1;
	s22 =	simm.s32 @!p1 $0x0  }
0x55: {  	s21 =	ssub.s32 s21, s22  }
0x56: {  	v6 =	vld [tilespmem:s21+$0x8200];
	_ =	sdelay $0x4  }
0x57: {  	(v2sf) =	vpush v6, $0x0;
	_ =	sdelay $0xd  }
.Ltmp3:
0x58: {  	(pc) =	sbr.rel @p0 .LBB2_5-.Ltmp3, $4  }
0x59: {  	s22 =	spop (v2sf)  }
0x5a: {  	p1 =	slt.s32 s22, s19;
	s22 =	sadd.s32 $0x1, s21  }
0x5b: {  	s18 =	smov.u32 @p1 s22;
	s21 =	smov.u32 @p1 s23  }
0x5c: {  	s20 =	sadd.s32 $0xFFFFFFFF, s20;
	s22 =	sadd.s32 s18, s21  }
0x5d: {  	s20 =	sand.u32 $0x1, s22  }
0x5e: {  	p0 =	slt.s32 s22, $0x1;
	p1 =	seq.s32 s20, $0x1  }
0x5f: {  	s30 =	sshrl.u32 s22, $0x1F;
	p0 =	por !p0, !p1  }
0x60: {  	s21 =	simm.s32 $0x1;
	s20 =	sadd.s32 s30, s22;
	p0 =	por !p0, !p0  }
0x61: {  	s20 =	sshra.s32 s20, $0x1;
	s21 =	simm.s32 @!p0 $0x0  }
0x62: {  	s20 =	ssub.s32 s20, s21  }
0x63: {  	v6 =	vld [tilespmem:s20+$0x8200];
	_ =	sdelay $0x4  }
0x64: {  	(v2sf) =	vpush v6, $0x0;
	_ =	sdelay $0xe  }
0x65: {  	s31 =	spop (v2sf)  }
0x66: {  	s20 =	sadd.s32 $0x1, s20;
	p0 =	slt.s32 s31, s19  }
0x67: {  	s18 =	smov.u32 @p0 s20  }
0x68: {  	[smem:s19] =	sst s18;
	s19 =	sadd.s32 $0x1, s19  }
0x69: {  	p0 =	sne.s32 s19, $0x9  }
.Ltmp4:
0x6a: {  	_ = 	snop;
	(pc) =	sbr.rel @p0 .LBB2_4-.Ltmp4, $4  }
.Ltmp5:
0x6b: {  	_ = 	snop;
	(pc) =	sbr.rel @!p0 .LBB2_7-.Ltmp5, $4  }
0x6c: {  	_ = 	snop  }
0x6d: {  	_ = 	snop  }
0x6e: {  	s18 =	simm.s32 $0x0  }
0x6f: {  	_ = 	snop  }
.LBB2_12:
0x70: {  	v8 =	vimm.s32 $0xFFFFFFFF  }
0x71: {  	v6 =	vimm.f32 $+Inf;
	v7 =	vimm.f32 $+Inf;
	v9 =	vimm.s32 $0xFFFFFFFF  }
.LBB2_16:
0x72: {  	[tilespmem:$0x12380] =	vst v1  }
0x73: {  	[tilespmem:$0x12390] =	vst v6  }
0x74: {  	[tilespmem:$0x123A0] =	vst v7  }
0x75: {  	[tilespmem:$0x12410] =	vst v8;
	v10 =	vld [tilespmem:$0x12391]  }
0x76: {  	[tilespmem:$0x12420] =	vst v9;
	v11 =	vld [tilespmem:$0x1238F]  }
0x77: {  	[tilespmem:$0x12400] =	vst v4;
	v12 =	vld [tilespmem:$0x12411]  }
0x78: {  	[tilespmem:$0x12430] =	vst v4;
	v13 =	vld [tilespmem:$0x1240F]  }
0x79: {  	v14 =	vld [tilespmem:$0x12421]  }
0x7a: {  	[tilespmem:$0x123B0] =	vst v1;
	v15 =	vld [tilespmem:$0x1241F]  }
0x7b: {  	v16 =	vld [tilespmem:$0x123A1]  }
0x7c: {  	v17 =	vld [tilespmem:$0x1239F];
	_ =	sdelay $0x3  }
0x7d: {  	v12 =	vsel vm0, v12, v13;
	v46 =	vsel vm0, v10, v11  }
0x7e: {  	v47 =	vsel vm0, v14, v15;
	v48 =	vsel vm0, v16, v17;
	vm2 =	veq.f32 v6, v46  }
0x7f: {  	vm3 =	vgt.s32 v8, v12;
	vm4 =	vgt.s32 v12, v8;
	vm11 =	vgt.s32 v9, v47  }
0x80: {  	vm5 =	vgt.s32 v47, v9;
	vm4 =	vmand vm1, vm4;
	vm3 =	vmand vm3, vm0  }
0x81: {  	vm5 =	vmand vm1, vm5;
	vm3 =	vmor vm3, vm4;
	vm4 =	vmand vm11, vm0  }
0x82: {  	vm6 =	vmand vm2, vm3;
	vm3 =	veq.f32 v7, v48;
	vm4 =	vmor vm4, vm5  }
0x83: {  	vm4 =	vmand vm3, vm4;
	v49 =	vsel vm6, v12, v8  }
0x84: {  	v50 =	vsel vm4, v47, v9;
	[tilespmem:$0x12410] =	vst v49  }
0x85: {  	[tilespmem:$0x12420] =	vst v50;
	v52 =	vld [tilespmem:$0x1240F]  }
0x86: {  	[tilespmem:$0x12430] =	vst v4;
	v51 =	vld [tilespmem:$0x12411]  }
0x87: {  	v53 =	vld [tilespmem:$0x12421]  }
0x88: {  	v54 =	vld [tilespmem:$0x1241F];
	_ =	sdelay $0x3  }
0x89: {  	v10 =	vsel vm0, v11, v10;
	v57 =	vsel vm0, v17, v16  }
0x8a: {  	vm12 =	veq.f32 v6, v10;
	v55 =	vsel vm0, v52, v51;
	v56 =	vsel vm0, v54, v53  }
0x8b: {  	vm13 =	vgt.s32 v49, v55;
	vm6 =	vgt.s32 v55, v49;
	vm14 =	vgt.s32 v50, v56  }
0x8c: {  	vm7 =	vgt.s32 v56, v50;
	vm5 =	vmand vm1, vm13;
	vm6 =	vmand vm6, vm0  }
0x8d: {  	vm7 =	vmand vm7, vm0;
	vm5 =	vmor vm6, vm5;
	vm6 =	vmand vm1, vm14  }
0x8e: {  	vm15 =	veq.f32 v7, v57;
	vm4 =	vmand vm12, vm5;
	vm6 =	vmor vm7, vm6  }
0x8f: {  	[tilespmem:$0x12400] =	vst v4;
	vm5 =	vmand vm15, vm6;
	v8 =	vsel vm4, v55, v49  }
0x90: {  	v9 =	vsel vm5, v56, v50;
	[tilespmem:$0x12410] =	vst v8  }
0x91: {  	[tilespmem:$0x12420] =	vst v9;
	v59 =	vld [tilespmem:$0x1240F]  }
0x92: {  	[tilespmem:$0x12430] =	vst v4;
	v58 =	vld [tilespmem:$0x12411]  }
0x93: {  	v60 =	vld [tilespmem:$0x12421]  }
0x94: {  	v61 =	vld [tilespmem:$0x1241F];
	_ =	sdelay $0x3  }
0x95: {  	v10 =	vsel vm0, v58, v59  }
0x96: {  	v62 =	vsel vm0, v60, v61;
	vm4 =	vgt.s32 v10, v8;
	vm8 =	vgt.s32 v8, v10  }
0x97: {  	vm9 =	vgt.s32 v9, v62;
	vm10 =	vgt.s32 v62, v9;
	vm4 =	vmand vm1, vm4  }
0x98: {  	vm5 =	vmand vm8, vm0;
	vm11 =	vmand vm1, vm10;
	vm6 =	vmand vm9, vm0  }
0x99: {  	s20 =	sshll.u32 s18, $0x5;
	s18 =	sadd.s32 $0x1, s18;
	vm13 =	vlt.f32 v6, $+Inf;
	vm4 =	vmor vm5, vm4;
	vm12 =	vmor vm6, vm11  }
0x9a: {  	p0 =	sne.s32 s18, $0x100;
	vm14 =	vgt.f32 v6, $+Inf;
	vm2 =	vmand vm2, vm4;
	vm3 =	vmand vm3, vm12  }
.Ltmp6:
0x9b: {  	vm15 =	vgt.f32 v7, $+Inf;
	v6 =	vsel vm2, v10, v8;
	v63 =	vsel vm3, v62, v9;
	(pc) =	sbr.rel @!p0 .LBB2_17-.Ltmp6, $4  }
0x9c: {  	vm2 =	vmor vm14, vm13;
	vm3 =	vlt.f32 v7, $+Inf;
	[tilespmem:s20+$0xA280] =	vst v6;
	v6 =	vmov s19  }
0x9d: {  	[tilespmem:s20+$0xA290] =	vst v63;
	v7 =	vnsel vm2, $0xFFFFFFFF, v6;
	vm2 =	vmor vm15, vm3  }
0x9e: {  	[tilespmem:s20+$0xC280] =	vst v7;
	v6 =	vnsel vm2, $0xFFFFFFFF, v6  }
0x9f: {  	[tilespmem:s20+$0xC290] =	vst v6  }
.LBB2_7:
0xa0: {  	_ =	sdelay $0x3  }
0xa1: {  	v6 =	vld.idx.msk [tilespmem:v5+s18+$0x8200 ss:$0x1], $0xffff;
	_ =	sdelay $0x4  }
0xa2: {  	(v2sf) =	vpush v6, $0x0;
	_ =	sdelay $0xe  }
0xa3: {  	s19 =	spop (v2sf)  }
0xa4: {  	s24 =	sld [smem:s19+$0x0]  }
0xa5: {  	s25 =	sld [smem:s19+$0x1];
	_ =	sdelay $0x1  }
0xa6: {  	s22 =	simm.s32 $0x1;
	s29 =	sshra.s32 s24, $0x1F  }
0xa7: {  	s20 =	sand.u32 $0xF, s24;
	s21 =	sadd.s32 $0xF, s25;
	p0 =	slt.s32 s24, $0x1  }
0xa8: {  	s19 =	sshrl.u32 s29, $0x1C;
	p1 =	sne.s32 s20, $0x0;
	s30 =	sand.u32 $0xF, s21  }
0xa9: {  	p6 =	slt.s32 s21, $0x1;
	s31 =	sshra.s32 s21, $0x1F;
	s19 =	sadd.s32 s19, s24  }
0xaa: {  	p0 =	por !p0, !p1;
	p2 =	sne.s32 s30, $0x0;
	s20 =	sshrl.u32 s31, $0x1C  }
0xab: {  	p1 =	por !p6, !p2;
	s19 =	sshra.s32 s19, $0x4;
	p0 =	por !p0, !p0  }
0xac: {  	s20 =	sadd.s32 s20, s21;
	s21 =	simm.s32 $0x1;
	p1 =	por !p1, !p1  }
0xad: {  	s22 =	simm.s32 @!p0 $0x0;
	s20 =	sshra.s32 s20, $0x4;
	s21 =	simm.s32 @!p1 $0x0  }
0xae: {  	s26 =	ssub.s32 s19, s22;
	s20 =	ssub.s32 s20, s21  }
0xaf: {  	p0 =	sge.s32 s26, s20  }
.Ltmp7:
0xb0: {  	_ = 	snop;
	(pc) =	sbr.rel @p0 .LBB2_11-.Ltmp7, $2  }
0xb1: {  	_ =	sdelay $0x2  }
0xb2: {  	s23 =	simm.s32 $0x0;
	s19 =	sadd.s32 s7, s18  }
0xb3: {  	s21 =	sshll.u32 s26, $0x6;
	v6 =	vld.msk [tilespmem:s19+$0x0 ss:$0x0], $0xffff  }
0xb4: {  	v7 =	vld.msk [tilespmem:s19+$0x2080 ss:$0x0], $0xffff;
	s21 =	sshra.s32 s21, $0x2  }
0xb5: {  	s28 =	sadd.s32 $0x2080, s21;
	v10 =	vld [tilespmem:s21+$0x0]  }
0xb6: {  	v9 =	vld [tilespmem:s28+$0x0]  }
0xb7: {  	v8 =	vld.msk [tilespmem:s19+$0x4100 ss:$0x0], $0xffff;
	s22 =	sadd.s32 $0x4100, s21  }
0xb8: {  	v11 =	vld [tilespmem:s22+$0x0];
	_ =	sdelay $0x2  }
0xb9: {  	v10 =	vmul.f32 v10, v6;
	v9 =	vmul.f32 v9, v7;
	_ =	sdelay $0x1  }
0xba: {  	v11 =	vmul.f32 v11, v8;
	v12 =	vadd.f32 v9, v10;
	_ =	sdelay $0x1  }
0xbb: {  	v13 =	vadd.f32 v11, v12  }
0xbc: {  	v14 =	vsub.f32 v12, v9  }
0xbd: {  	v15 =	vsub.f32 v13, v11  }
0xbe: {  	v16 =	vsub.f32 v12, v14  }
0xbf: {  	v17 =	vsub.f32 v13, v15  }
0xc0: {  	v10 =	vsub.f32 v10, v14;
	v14 =	vsub.f32 v9, v16  }
0xc1: {  	v12 =	vsub.f32 v12, v15;
	v11 =	vsub.f32 v11, v17;
	_ =	sdelay $0x1  }
0xc2: {  	s23 =	sadd.s32 $0x6180, s21;
	v9 =	vld.msk [tilespmem:s19+$0x6180 ss:$0x0], $0xffff;
	v10 =	vadd.f32 v14, v10;
	v11 =	vadd.f32 v11, v12  }
0xc3: {  	v12 =	vld [tilespmem:s23+$0x0]  }
0xc4: {  	v10 =	vadd.f32 v11, v10;
	_ =	sdelay $0x1  }
0xc5: {  	v10 =	vadd.f32 v10, v13;
	_ =	sdelay $0x1  }
0xc6: {  	v12 =	vadd.f32 v12, v9;
	v13 =	vadd.f32 v10, v10  }
0xc7: {  	v10 =	vmov s24;
	s24 =	sshll.u32 s26, $0x4  }
0xc8: {  	v11 =	vmov s25;
	s26 =	sadd.s32 $0x1, s26;
	v14 =	vor.u32 s24, v3;
	v13 =	vsub.f32 v12, v13  }
0xc9: {  	p0 =	slt.s32 s26, s20;
	v12 =	vmov s19;
	vm2 =	vge.s32 v14, v10;
	vm3 =	vlt.s32 v14, v11  }
.Ltmp8:
0xca: {  	vm2 =	vmand vm2, vm3;
	vm3 =	vne.s32 v14, v12;
	v13 =	vmax.f32 v13, $0.0e+00;
	(pc) =	sbr.rel @!p0 .LBB2_10-.Ltmp8, $4  }
0xcb: {  	vm2 =	vmand vm3, vm2;
	vm3 =	vle.f32 v13, $6.250000000e-02  }
0xcc: {  	s25 =	simm.s32 $0x0;
	vm2 =	vmand vm2, vm3  }
0xcd: {  	[tilespmem:s25+$0xE280] =	vst.msk vm2, v13;
	v13 =	vmpcnt.ones.xlane vm2  }
0xce: {  	s28 =	sadd.s32 $0x10, s28;
	[tilespmem:s25+$0x10300] =	vst.msk vm2, v14  }
.LBB2_9:
0xcf: {  	v14 =	vld [tilespmem:s28+$0x0];
	s21 =	sadd.s32 $0x10, s21;
	(v2sf) =	vpush v13, $0x0  }
0xd0: {  	s26 =	sadd.s32 $0x1, s26;
	v13 =	vld [tilespmem:s21+$0x0]  }
0xd1: {  	s22 =	sadd.s32 $0x10, s22;
	p0 =	slt.s32 s26, s20  }
0xd2: {  	v15 =	vld [tilespmem:s22+$0x0];
	_ =	sdelay $0x2  }
0xd3: {  	v14 =	vmul.f32 v14, v7;
	v13 =	vmul.f32 v13, v6;
	_ =	sdelay $0x1  }
0xd4: {  	v15 =	vmul.f32 v15, v8;
	v16 =	vadd.f32 v14, v13;
	_ =	sdelay $0x1  }
0xd5: {  	v17 =	vadd.f32 v15, v16  }
0xd6: {  	v18 =	vsub.f32 v16, v14  }
0xd7: {  	v19 =	vsub.f32 v17, v15  }
0xd8: {  	v20 =	vsub.f32 v16, v18  }
0xd9: {  	v21 =	vsub.f32 v17, v19  }
0xda: {  	v13 =	vsub.f32 v13, v18;
	v14 =	vsub.f32 v14, v20;
	s29 =	spop (v2sf)  }
0xdb: {  	v16 =	vsub.f32 v16, v19;
	v15 =	vsub.f32 v15, v21;
	s25 =	sadd.s32 s25, s29;
	_ =	sdelay $0x1  }
0xdc: {  	s23 =	sadd.s32 $0x10, s23;
	v13 =	vadd.f32 v14, v13;
	v14 =	vadd.f32 v15, v16  }
0xdd: {  	v15 =	vld [tilespmem:s23+$0x0]  }
0xde: {  	v13 =	vadd.f32 v14, v13;
	_ =	sdelay $0x1  }
0xdf: {  	v13 =	vadd.f32 v13, v17;
	_ =	sdelay $0x1  }
0xe0: {  	v14 =	vadd.f32 v15, v9;
	v13 =	vadd.f32 v13, v13  }
0xe1: {  	s24 =	sadd.s32 $0x10, s24  }
0xe2: {  	v15 =	vor.u32 s24, v3;
	v13 =	vsub.f32 v14, v13  }
0xe3: {  	vm2 =	vge.s32 v15, v10;
	vm3 =	vlt.s32 v15, v11  }
.Ltmp9:
0xe4: {  	vm2 =	vmand vm2, vm3;
	vm3 =	vne.s32 v15, v12;
	v13 =	vmax.f32 v13, $0.0e+00;
	(pc) =	sbr.rel @p0 .LBB2_9-.Ltmp9, $4  }
0xe5: {  	vm2 =	vmand vm3, vm2;
	vm3 =	vle.f32 v13, $6.250000000e-02  }
0xe6: {  	vm2 =	vmand vm2, vm3  }
0xe7: {  	[tilespmem:s25+$0xE280] =	vst.msk vm2, v13;
	v13 =	vmpcnt.ones.xlane vm2  }
0xe8: {  	s28 =	sadd.s32 $0x10, s28;
	[tilespmem:s25+$0x10300] =	vst.msk vm2, v15  }
.LBB2_10:
0xe9: {  	(v2sf) =	vpush v13, $0x0;
	_ =	sdelay $0xe  }
0xea: {  	s20 =	spop (v2sf)  }
0xeb: {  	s23 =	sadd.s32 s25, s20  }
.LBB2_11:
0xec: {  	s20 =	sadd.s32 $0xF, s23  }
0xed: {  	s21 =	sand.u32 $0xF, s20  }
0xee: {  	s22 =	sshra.s32 s20, $0x1F;
	p0 =	slt.s32 s20, $0x1;
	p1 =	sne.s32 s21, $0x0  }
0xef: {  	s31 =	sshrl.u32 s22, $0x1C;
	p0 =	por !p0, !p1  }
0xf0: {  	s21 =	simm.s32 $0x1;
	s20 =	sadd.s32 s31, s20;
	p0 =	por !p0, !p0  }
0xf1: {  	s20 =	sshra.s32 s20, $0x4;
	s21 =	simm.s32 @!p0 $0x0  }
0xf2: {  	s22 =	ssub.s32 s20, s21  }
0xf3: {  	p0 =	slt.s32 s22, $0x1  }
.Ltmp10:
0xf4: {  	_ = 	snop;
	(pc) =	sbr.rel @p0 .LBB2_12-.Ltmp10, $1  }
0xf5: {  	_ =	sdelay $0x3  }
0xf6: {  	s21 =	simm.s32 $0xE280  }
0xf7: {  	s20 =	simm.s32 $0x10300;
	v6 =	vld [tilespmem:s21+$0x0]  }
0xf8: {  	v8 =	vld [tilespmem:s20+$0x0];
	_ =	sdelay $0x1  }
0xf9: {  	s21 =	simm.s32 $0x0  }
0xfa: {  	v7 =	vmov s23;
	v9 =	vor.u32 s21, v3  }
0xfb: {  	vm2 =	vlt.s32 v9, v7  }
0xfc: {  	v6 =	vnsel vm2, $0x7F800000, v6;
	v8 =	vnsel vm2, $0xFFFFFFFF, v8  }
0xfd: {  	(xrf1) =	vsort.ascd.msk.f32 $0xffff, v6, v8;
	_ =	sdelay $0xd  }
0xfe: {  	v8, v9, _ =	vpop (xrf1)  }
0xff: {  	v6 =	vimm.f32 $+Inf;
	(v2sf) =	vpush v8, $0x0  }
0x100: {  	(v2sf) =	vpush v6, $0xF;
	_ =	sdelay $0xd  }
0x101: {  	s31 =	spop (v2sf)  }
0x102: {  	s24 =	spop (v2sf)  }
0x103: {  	p0 =	slt.f32 s31, s24;
	_ =	sdelay $0x1  }
0x104: {  	v10 =	vlaneseq.u32 @p0  }
0x105: {  	v10 =	vmul.u32 @p0 $0xFFFFFFFF, v10;
	_ =	sdelay $0x1  }
0x106: {  	v11 =	vadd.s32 @p0 $0xF, v10  }
0x107: {  	v10 =	vperm.xlane @p0 v8, v11  }
0x108: {  	v9 =	vperm.xlane @p0 v9, v11  }
0x109: {  	v8 =	vimm.s32 $0xFFFFFFFF;
	vm2 =	vle.f32 @p0 v6, v10  }
0x10a: {  	v10 =	vsel @p0 vm2, v6, v10;
	v9 =	vsel @p0 vm2, v8, v9  }
0x10b: {  	(xrf1) =	vsort.ascd.msk.f32 @p0 $0xffff, v10, v9;
	_ =	sdelay $0x2  }
0x10c: {  	s22 =	sadd.s32 $0xFFFFFFFF, s22  }
0x10d: {  	p1 =	sne.s32 s22, $0x0  }
.Ltmp11:
0x10e: {  	_ = 	snop;
	(pc) =	sbr.rel @!p1 .LBB2_15-.Ltmp11, $2  }
0x10f: {  	_ =	sdelay $0x2  }
0x110: {  	s23 =	simm.s32 $0xE290;
	v10 =	vimm.f32 $+Inf;
	v9 =	vimm.s32 $0xFFFFFFFF  }
.LBB2_14:
0x111: {  	v12 =	vld [tilespmem:s23+$0x0];
	s20 =	sadd.s32 $0x10, s20  }
0x112: {  	v13 =	vld [tilespmem:s20+$0x0];
	_ =	sdelay $0x1  }
0x113: {  	s21 =	sadd.s32 $0x10, s21  }
0x114: {  	s22 =	sadd.s32 $0xFFFFFFFF, s22;
	v14 =	vor.u32 s21, v3;
	v15, v16, _ =	vpop @p0 (xrf1)  }
0x115: {  	p1 =	sne.s32 s22, $0x0;
	vm2 =	vlt.s32 v14, v7;
	v14 =	vperm.xlane @p0 v15, v11  }
0x116: {  	v12 =	vnsel vm2, $0x7F800000, v12;
	v11 =	vperm.xlane @p0 v16, v11;
	v13 =	vnsel vm2, $0xFFFFFFFF, v13  }
0x117: {  	(xrf1) =	vsort.ascd.msk.f32 $0xffff, v12, v13;
	vm2 =	vle.f32 @p0 v6, v14  }
0x118: {  	v12 =	vsel @p0 vm2, v8, v11;
	v13 =	vsel @p0 vm2, v14, v6;
	v11 =	vsel @p0 vm2, v11, v8  }
0x119: {  	v14 =	vsel @p0 vm2, v6, v14;
	(xrf1) =	vsort.ascd.msk.f32 @p0 $0xffff, v13, v11  }
0x11a: {  	(xrf1) =	vsort.ascd.msk.f32 @p0 $0xffff, v14, v12;
	_ =	sdelay $0xa  }
0x11b: {  	v12, v13, _ =	vpop (xrf1);
	_ =	sdelay $0x1  }
0x11c: {  	v11, v14, _ =	vpop @p0 (xrf1)  }
0x11d: {  	(v2sf) =	vpush v12, $0x0;
	v10 =	vpsel p0, v11, v10;
	v9 =	vpsel p0, v14, v9;
	v11, v14, _ =	vpop @p0 (xrf1)  }
0x11e: {  	(v2sf) =	vpush v10, $0xF;
	v6 =	vpsel p0, v11, v6;
	v8 =	vpsel p0, v14, v8;
	_ =	sdelay $0xd  }
0x11f: {  	s24 =	spop (v2sf)  }
0x120: {  	s25 =	spop (v2sf)  }
0x121: {  	p0 =	slt.f32 s24, s25;
	_ =	sdelay $0x1  }
0x122: {  	v11 =	vlaneseq.u32 @p0  }
0x123: {  	v11 =	vmul.u32 @p0 $0xFFFFFFFF, v11;
	_ =	sdelay $0x1  }
0x124: {  	v11 =	vadd.s32 @p0 $0xF, v11  }
0x125: {  	v12 =	vperm.xlane @p0 v12, v11;
	v13 =	vperm.xlane @p0 v13, v11;
	_ =	sdelay $0x1  }
0x126: {  	vm2 =	vle.f32 @p0 v10, v12  }
0x127: {  	v12 =	vsel @p0 vm2, v10, v12;
	v13 =	vsel @p0 vm2, v9, v13  }
0x128: {  	(xrf1) =	vsort.ascd.msk.f32 @p0 $0xffff, v12, v13;
	_ =	sdelay $0x4  }
.Ltmp12:
0x129: {  	(pc) =	sbr.rel @p1 .LBB2_14-.Ltmp12, $2  }
0x12a: {  	_ =	sdelay $0x2  }
0x12b: {  	s23 =	sadd.s32 $0x10, s23  }
.LBB2_15:
0x12c: {  	_ =	sdelay $0x3  }
0x12d: {  	v7, v12, _ =	vpop @p0 (xrf1)  }
0x12e: {  	v7 =	vperm.xlane @p0 v7, v11  }
0x12f: {  	v11 =	vperm.xlane @p0 v12, v11  }
0x130: {  	vm2 =	vle.f32 @p0 v6, v7  }
0x131: {  	v12 =	vsel @p0 vm2, v7, v6;
	v13 =	vsel @p0 vm2, v11, v8  }
0x132: {  	v11 =	vsel @p0 vm2, v8, v11;
	v7 =	vsel @p0 vm2, v6, v7;
	(xrf1) =	vsort.ascd.msk.f32 @p0 $0xffff, v12, v13  }
0x133: {  	(xrf1) =	vsort.ascd.msk.f32 @p0 $0xffff, v7, v11;
	_ =	sdelay $0xa  }
.Ltmp13:
0x134: {  	_ = 	snop;
	(pc) =	sbr.rel .LBB2_16-.Ltmp13, $4  }
0x135: {  	_ = 	snop  }
0x136: {  	v7, v11, _ =	vpop @p0 (xrf1)  }
0x137: {  	v7 =	vpsel p0, v7, v10;
	v10, v12, _ =	vpop @p0 (xrf1)  }
0x138: {  	v9 =	vpsel p0, v11, v9;
	v6 =	vpsel p0, v10, v6;
	v8 =	vpsel p0, v12, v8  }
.LBB2_18:
0x139: {  	_ =	sfence.sel $0x180000  }
0x13a: {  	[bflag:$0x0] =	sbarrier.arrive $0xFFFF  }
0x13b: {  	p0 =	sne.s32 s2, $0x0;
	_ =	strace $0x90000047  }
0x13c: {  	s0 =	sadd.s32 @!p0 $0x100000, s0;
	[bflag:$0x2] =	sbarrier.arrive $0xFFFF  }
0x13d: {  	[sflag:s0] =	ssyncadd.tile.s32 @!p0 $0x1;
	_ =	shalt  }
.Lfunc_end2:
_tile_overlayer_lowered:
.L_overlay_start_2:
0x13e: {  	(tag) =	ssettag $0x2  }
0x13f: {  	s0 =	rddreg [dreg:$0x0];
	s2 =	stileid.u32  }
0x140: {  	s1 =	rddreg [dreg:$0x1];
	p0 =	sne.s32 s2, $0x0  }
0x141: {  	s3 =	rddreg [dreg:$0x2];
	[bflag:$0x3] =	sbarrier.arrive $0xFFFF;
	s2 =	simm.s32 @!p0 $0x1C01  }
0x142: {  	[timem:s3], [sflag:s2] =	dma.local @!p0 [hbm:s0], s1  }
0x143: {  	s0 =	simm.s32 @!p0 $0x1  }
0x144: {  	_ =	swait.ge @!p0 [sflag:s0], s1  }
0x145: {  	s1 =	ssub.s32 @!p0 $0x0, s1;
	[sflag:s0] =	ssyncset.done @!p0 $0x0  }
0x146: {  	[sflag:s0] =	ssyncadd.s32 @!p0 s1  }
0x147: {  	[bflag:$0x3] =	sbarrier.arrive $0xFFFF  }
0x148: {  	_ =	shalt  }

</sc_bundles>
